<compile_context>
chip_gen: v7x
topology: tpu7x:2x2x1
jax: 0.10.2.dev20260603
libtpu: 0.0.44.dev20260713+nightly
codegen_flags: <defaults>
</compile_context>

<pallas_src>
import functools

import jax
import jax.numpy as jnp
from jax import lax
from jax.experimental import pallas as pl
from jax.experimental.pallas import tpu as pltpu
from jax.experimental.pallas import tpu_sc as plsc



_BL = 2048
_NBUF = 6


def _proj_body(vt_hbm, vtail_ref, w_ref, b_ref, out_hbm, vbuf, obuf, *sems):
    pre_dim, vocab = vt_hbm.shape
    nfull = vocab // _BL
    tail = vocab - nfull * _BL
    insems, outsems = sems[:_NBUF], sems[_NBUF:2 * _NBUF]
    w = w_ref[...]
    bvec = b_ref[...]
    dn = (((0,), (0,)), ((), ()))

    for b in range(_NBUF):
        pltpu.make_async_copy(
            vt_hbm.at[:, pl.ds(b * _BL, _BL)], vbuf.at[b], insems[b]).start()

    def body(k, carry):
        for b in range(_NBUF):
            step = k * _NBUF + b

            @pl.when(k >= 1)
            def _():
                pltpu.make_async_copy(
                    obuf.at[b], out_hbm.at[pl.ds(0, _BL)], outsems[b]).wait()

            pltpu.make_async_copy(
                vt_hbm.at[:, pl.ds(step * _BL, _BL)], vbuf.at[b],
                insems[b]).wait()
            obuf[b] = lax.dot_general(
                vbuf[b], w, dimension_numbers=dn,
                preferred_element_type=jnp.float32) + bvec
            pltpu.make_async_copy(
                obuf.at[b], out_hbm.at[pl.ds(step * _BL, _BL)],
                outsems[b]).start()
            nxt = step + _NBUF

            @pl.when(nxt < nfull)
            def _():
                pltpu.make_async_copy(
                    vt_hbm.at[:, pl.ds(nxt * _BL, _BL)], vbuf.at[b],
                    insems[b]).start()
        return carry

    lax.fori_loop(0, nfull // _NBUF, body, 0)
    for b in range(_NBUF):
        pltpu.make_async_copy(
            obuf.at[b], out_hbm.at[pl.ds(0, _BL)], outsems[b]).wait()
    if tail:
        obuf[0, pl.ds(0, tail)] = lax.dot_general(
            vtail_ref[...], w, dimension_numbers=dn,
            preferred_element_type=jnp.float32) + bvec
        pltpu.make_async_copy(
            obuf.at[0, pl.ds(0, tail)],
            out_hbm.at[pl.ds(nfull * _BL, tail)], outsems[0]).start()
        pltpu.make_async_copy(
            obuf.at[0, pl.ds(0, tail)],
            out_hbm.at[pl.ds(nfull * _BL, tail)], outsems[0]).wait()


def _project(vectors, W, bias):
    vocab, pre_dim = vectors.shape
    size = W.shape[0]
    nfull = vocab // _BL
    assert nfull % _NBUF == 0
    vt = vectors.T
    return pl.pallas_call(
        _proj_body,
        in_specs=[
            pl.BlockSpec(memory_space=pl.ANY),
            pl.BlockSpec(memory_space=pltpu.VMEM),
            pl.BlockSpec(memory_space=pltpu.VMEM),
            pl.BlockSpec(memory_space=pltpu.VMEM),
        ],
        out_specs=pl.BlockSpec(memory_space=pl.ANY),
        out_shape=jax.ShapeDtypeStruct((vocab, size), jnp.float32),
        scratch_shapes=(
            [pltpu.VMEM((_NBUF, pre_dim, _BL), jnp.float32),
             pltpu.VMEM((_NBUF, _BL, size), jnp.float32)]
            + [pltpu.SemaphoreType.DMA] * (2 * _NBUF)
        ),
    )(vt, vt[:, nfull * _BL:], W.T, bias.reshape(1, size))



_NC = 2
_NS = 16
_NW = _NC * _NS


@functools.lru_cache(maxsize=None)
def _make_gather(b_, l_, size):
    assert b_ % _NW == 0
    cpw = b_ // _NW
    mesh = plsc.VectorSubcoreMesh(core_axis_name="c", subcore_axis_name="s")

    nbuf = 5
    nouter = l_ // nbuf
    assert l_ % nbuf == 0

    @functools.partial(
        pl.kernel,
        mesh=mesh,
        out_type=jax.ShapeDtypeStruct((l_, b_, size), jnp.float32),
        scratch_types=[
            pltpu.VMEM((l_, cpw), jnp.int32),
            pltpu.VMEM((nbuf, cpw, size), jnp.float32),
        ] + [pltpu.SemaphoreType.DMA] * nbuf,
    )
    def gather(tokt_hbm, table_hbm, out_hbm, idx_v, rows_v, *sems):
        wid = lax.axis_index("s") * _NC + lax.axis_index("c")
        col0 = pl.multiple_of(wid * cpw, cpw)
        pltpu.sync_copy(tokt_hbm.at[:, pl.ds(col0, cpw)], idx_v)

        def body(k, carry):
            for b in range(nbuf):
                li = k * nbuf + b

                @pl.when(k >= 1)
                def _():
                    pltpu.make_async_copy(
                        rows_v.at[b], out_hbm.at[0, pl.ds(col0, cpw)],
                        sems[b]).wait()

                pltpu.async_copy(
                    table_hbm.at[idx_v.at[li]], rows_v.at[b], sems[b])
            for b in range(nbuf):
                li = k * nbuf + b
                pltpu.make_async_copy(
                    table_hbm.at[idx_v.at[li]], rows_v.at[b], sems[b]).wait()
                pltpu.async_copy(
                    rows_v.at[b], out_hbm.at[li, pl.ds(col0, cpw)], sems[b])
            return carry

        lax.fori_loop(0, nouter, body, 0)
        for b in range(nbuf):
            pltpu.make_async_copy(
                rows_v.at[b], out_hbm.at[0, pl.ds(col0, cpw)], sems[b]).wait()

    return gather


def kernel(tokens, vectors, W, bias):
    b_, l_ = tokens.shape
    size = W.shape[0]
    table = _project(vectors, W, bias)
    out = _make_gather(b_, l_, size)(tokens.T, table)
    return out.transpose(1, 0, 2)

# --- scband reference (transcript-rebuilt; emitter-appended) ---
"""Pipeline reference for scband-embed-67327907332118 (READ-ONLY COPY).

The authoritative reference and input builder live on the scoring server;
editing this copy changes nothing except your own understanding.
"""

import jax, jax.numpy as jnp
import numpy as np

VOCAB = 100000
PRE_DIM = 300
SIZE = 128
B = 4096
L = 50


def setup_inputs(seed: int = 0) -> dict:
    key = jax.random.key(seed)
    k1, k2, k3 = jax.random.split(key, 3)
    tokens = jax.random.randint(k1, (B, L), 0, VOCAB, dtype=jnp.int32)
    vectors = jax.random.normal(k2, (VOCAB, PRE_DIM), dtype=jnp.float32) * 0.02
    W = jax.random.normal(k3, (SIZE, PRE_DIM), dtype=jnp.float32) * (1.0 / np.sqrt(PRE_DIM))
    bias = jnp.zeros((SIZE,), dtype=jnp.float32)
    return {"tokens": tokens, "vectors": vectors, "W": W, "bias": bias}


def reference(tokens, vectors, W, bias):
    # Embed.forward with make_buffers=False, activation=identity:
    #   embeds = vectors.take(tokens.ravel(), axis=0)
    #   embeds = projection(embeds)
    #   return activation(embeds.view(b, l, -1))
    b_, l_ = tokens.shape
    flat = tokens.reshape(-1)
    embeds = jnp.take(vectors, flat, axis=0)          # gather [B*L, PRE_DIM]
    proj = embeds @ W.T + bias                        # Linear(PRE_DIM -> SIZE)
    return proj.reshape(b_, l_, SIZE)

if __name__ == "__main__":
    import jax
    _d = setup_inputs()
    print(jax.jit(kernel)(*tuple(_d.values())))

</pallas_src>

<mosaic_0001>
#map = affine_map<(d0, d1) -> (0, 0)>
#map1 = affine_map<(d0, d1) -> (0, 0, 0)>
module attributes {stable_mosaic.version = 14 : i64} {
  func.func @gather(%arg0: i32, %arg1: i32, %arg2: memref<50x4096xi32, #tpu.memory_space<hbm>>, %arg3: memref<100000x128xf32, #tpu.memory_space<hbm>>, %arg4: memref<50x4096x128xf32, #tpu.memory_space<hbm>>, %arg5: memref<50x128xi32, #tpu.memory_space<vmem>>, %arg6: memref<5x128x128xf32, #tpu.memory_space<vmem>>, %arg7: memref<!tpu.dma_semaphore, #tpu.memory_space<semaphore_mem>>, %arg8: memref<!tpu.dma_semaphore, #tpu.memory_space<semaphore_mem>>, %arg9: memref<!tpu.dma_semaphore, #tpu.memory_space<semaphore_mem>>, %arg10: memref<!tpu.dma_semaphore, #tpu.memory_space<semaphore_mem>>, %arg11: memref<!tpu.dma_semaphore, #tpu.memory_space<semaphore_mem>>) attributes {dimension_semantics = [#tpu.dimension_semantics<core_parallel>, #tpu.dimension_semantics<subcore_parallel>], iteration_bounds = array<i64: 2, 16>, scalar_prefetch = 0 : i64, scratch_operands = 7 : i64, tpu.core_type = #tpu.core_type<sc_vector_subcore>, window_params = [{transform_indices = #map}, {transform_indices = #map}, {transform_indices = #map1}]} {
    %mul3A = arith.constant 2 : i32
    %mul3A_0 = arith.muli %arg1, %mul3A : i32
    %add3A = arith.addi %mul3A_0, %arg0 : i32
    %mul3A_1 = arith.constant 128 : i32
    %mul3A_2 = arith.muli %add3A, %mul3A_1 : i32
    %multiple_of3A = tpu.assume_multiple %mul3A_2, 128 : i32
    "tpu.region"() ({
      %run_scoped3A = tpu.sem_alloc : memref<!tpu.dma_semaphore, #tpu.memory_space<semaphore_mem>>
      %dma_start3A = arith.constant 0 : i32
      %dma_start3A_87 = tpu.memref_slice %arg2[%dma_start3A, %multiple_of3A] : memref<50x4096xi32, #tpu.memory_space<hbm>> -> memref<50x128xi32, #tpu.memory_space<hbm>>
      %dma_start3A_88 = arith.constant 0 : i32
      %dma_start3A_89 = tpu.memref_slice %arg2[%dma_start3A_88, %multiple_of3A] : memref<50x4096xi32, #tpu.memory_space<hbm>> -> memref<50x128xi32, #tpu.memory_space<hbm>>
      tpu.enqueue_dma source(%dma_start3A_89 : memref<50x128xi32, #tpu.memory_space<hbm>>) target(%arg5 : memref<50x128xi32, #tpu.memory_space<vmem>>) target_semaphore(%run_scoped3A : memref<!tpu.dma_semaphore, #tpu.memory_space<semaphore_mem>>)
      %dma_wait3A_90 = arith.constant 0 : i32
      %dma_wait3A_91 = tpu.memref_slice %arg2[%dma_wait3A_90, %multiple_of3A] : memref<50x4096xi32, #tpu.memory_space<hbm>> -> memref<50x128xi32, #tpu.memory_space<hbm>>
      %dma_wait3A_92 = arith.constant 0 : i32
      %dma_wait3A_93 = tpu.memref_slice %arg2[%dma_wait3A_92, %multiple_of3A] : memref<50x4096xi32, #tpu.memory_space<hbm>> -> memref<50x128xi32, #tpu.memory_space<hbm>>
      tpu.wait_dma2 semaphore(%run_scoped3A : memref<!tpu.dma_semaphore, #tpu.memory_space<semaphore_mem>>) src(%dma_wait3A_93 : memref<50x128xi32, #tpu.memory_space<hbm>>) dst(%arg5 : memref<50x128xi32, #tpu.memory_space<vmem>>)
      tpu.yield
    }) : () -> ()
    %scan3A = arith.constant 0 : i32
    %scan3A_3 = arith.constant 0 : i32
    %scan3A_4 = arith.constant 10 : i32
    %scan3A_5 = arith.addi %scan3A_3, %scan3A_4 : i32
    %scan3A_6 = arith.constant 1 : i32
    scf.for %scan3A_87 = %scan3A_3 to %scan3A_5 step %scan3A_6  : i32 {
      %mul3A_88 = arith.constant 5 : i32
      %mul3A_89 = arith.muli %scan3A_87, %mul3A_88 : i32
      %add3A_90 = arith.constant 0 : i32
      %add3A_91 = arith.addi %mul3A_89, %add3A_90 : i32
      %ge3A = arith.constant 1 : i32
      %ge3A_92 = arith.cmpi sge, %scan3A_87, %ge3A : i32
      %convert_element_type3A = arith.extui %ge3A_92 : i1 to i32
      %cond3A = arith.constant 0 : i32
      %cond3A_93 = arith.cmpi ne, %convert_element_type3A, %cond3A : i32
      scf.if %cond3A_93 {
        %dma_wait3A_334 = arith.constant 0 : i32
        %dma_wait3A_335 = arith.constant 0 : i32
        %dma_wait3A_336 = arith.constant 0 : i32
        %dma_wait3A_337 = arith.constant 0 : i32
        %dma_wait3A_338 = tpu.memref_slice %arg6[%dma_wait3A_334, %dma_wait3A_336, %dma_wait3A_337] : memref<5x128x128xf32, #tpu.memory_space<vmem>> -> memref<1x128x128xf32, #tpu.memory_space<vmem>>
        %dma_wait3A_339 = tpu.memref_squeeze %dma_wait3A_338 : memref<1x128x128xf32, #tpu.memory_space<vmem>> -> memref<128x128xf32, #tpu.memory_space<vmem>>
        %dma_wait3A_340 = arith.constant 0 : i32
        %dma_wait3A_341 = tpu.memref_slice %arg4[%dma_wait3A_335, %multiple_of3A, %dma_wait3A_340] : memref<50x4096x128xf32, #tpu.memory_space<hbm>> -> memref<1x128x128xf32, #tpu.memory_space<hbm>>
        %dma_wait3A_342 = tpu.memref_squeeze %dma_wait3A_341 : memref<1x128x128xf32, #tpu.memory_space<hbm>> -> memref<128x128xf32, #tpu.memory_space<hbm>>
        %dma_wait3A_343 = arith.constant 0 : i32
        %dma_wait3A_344 = tpu.memref_slice %arg4[%dma_wait3A_335, %multiple_of3A, %dma_wait3A_343] : memref<50x4096x128xf32, #tpu.memory_space<hbm>> -> memref<1x128x128xf32, #tpu.memory_space<hbm>>
        %dma_wait3A_345 = tpu.memref_squeeze %dma_wait3A_344 : memref<1x128x128xf32, #tpu.memory_space<hbm>> -> memref<128x128xf32, #tpu.memory_space<hbm>>
        %dma_wait3A_346 = arith.constant 0 : i32
        %dma_wait3A_347 = arith.constant 0 : i32
        %dma_wait3A_348 = tpu.memref_slice %arg6[%dma_wait3A_334, %dma_wait3A_346, %dma_wait3A_347] : memref<5x128x128xf32, #tpu.memory_space<vmem>> -> memref<1x128x128xf32, #tpu.memory_space<vmem>>
        %dma_wait3A_349 = tpu.memref_squeeze %dma_wait3A_348 : memref<1x128x128xf32, #tpu.memory_space<vmem>> -> memref<128x128xf32, #tpu.memory_space<vmem>>
        tpu.wait_dma2 semaphore(%arg7 : memref<!tpu.dma_semaphore, #tpu.memory_space<semaphore_mem>>) src(%dma_wait3A_349 : memref<128x128xf32, #tpu.memory_space<vmem>>) dst(%dma_wait3A_345 : memref<128x128xf32, #tpu.memory_space<hbm>>)
      } else {
      }
      %dma_start3A = arith.constant 0 : i32
      %dma_start3A_94 = arith.constant 0 : i32
      %dma_start3A_95 = arith.constant 0 : i32
      %dma_start3A_96 = tpu.memref_slice %arg6[%dma_start3A, %dma_start3A_94, %dma_start3A_95] : memref<5x128x128xf32, #tpu.memory_space<vmem>> -> memref<1x128x128xf32, #tpu.memory_space<vmem>>
      %dma_start3A_97 = tpu.memref_squeeze %dma_start3A_96 : memref<1x128x128xf32, #tpu.memory_space<vmem>> -> memref<128x128xf32, #tpu.memory_space<vmem>>
      %dma_start3A_98 = arith.constant 0 : i32
      %dma_start3A_99 = tpu.memref_slice %arg5[%add3A_91, %dma_start3A_98] : memref<50x128xi32, #tpu.memory_space<vmem>> -> memref<1x128xi32, #tpu.memory_space<vmem>>
      %dma_start3A_100 = tpu.memref_squeeze %dma_start3A_99 : memref<1x128xi32, #tpu.memory_space<vmem>> -> memref<128xi32, #tpu.memory_space<vmem>>
      %dma_start3A_101 = arith.constant 0 : i32
      %dma_start3A_102 = arith.constant 0 : i32
      %dma_start3A_103 = tpu.memref_slice %arg3[%dma_start3A_101, %dma_start3A_102] : memref<100000x128xf32, #tpu.memory_space<hbm>> -> memref<100000x128xf32, #tpu.memory_space<hbm>>
      tpu.enqueue_indirect_dma source(%dma_start3A_103 : memref<100000x128xf32, #tpu.memory_space<hbm>>) target(%dma_start3A_97 : memref<128x128xf32, #tpu.memory_space<vmem>>) offsets(%dma_start3A_100 : memref<128xi32, #tpu.memory_space<vmem>>) semaphore(%arg7 : memref<!tpu.dma_semaphore, #tpu.memory_space<semaphore_mem>>)
      %mul3A_104 = arith.constant 5 : i32
      %mul3A_105 = arith.muli %scan3A_87, %mul3A_104 : i32
      %add3A_106 = arith.constant 1 : i32
      %add3A_107 = arith.addi %mul3A_105, %add3A_106 : i32
      %ge3A_108 = arith.constant 1 : i32
      %ge3A_109 = arith.cmpi sge, %scan3A_87, %ge3A_108 : i32
      %convert_element_type3A_110 = arith.extui %ge3A_109 : i1 to i32
      %cond3A_111 = arith.constant 0 : i32
      %cond3A_112 = arith.cmpi ne, %convert_element_type3A_110, %cond3A_111 : i32
      scf.if %cond3A_112 {
        %dma_wait3A_334 = arith.constant 1 : i32
        %dma_wait3A_335 = arith.constant 0 : i32
        %dma_wait3A_336 = arith.constant 0 : i32
        %dma_wait3A_337 = arith.constant 0 : i32
        %dma_wait3A_338 = tpu.memref_slice %arg6[%dma_wait3A_334, %dma_wait3A_336, %dma_wait3A_337] : memref<5x128x128xf32, #tpu.memory_space<vmem>> -> memref<1x128x128xf32, #tpu.memory_space<vmem>>
        %dma_wait3A_339 = tpu.memref_squeeze %dma_wait3A_338 : memref<1x128x128xf32, #tpu.memory_space<vmem>> -> memref<128x128xf32, #tpu.memory_space<vmem>>
        %dma_wait3A_340 = arith.constant 0 : i32
        %dma_wait3A_341 = tpu.memref_slice %arg4[%dma_wait3A_335, %multiple_of3A, %dma_wait3A_340] : memref<50x4096x128xf32, #tpu.memory_space<hbm>> -> memref<1x128x128xf32, #tpu.memory_space<hbm>>
        %dma_wait3A_342 = tpu.memref_squeeze %dma_wait3A_341 : memref<1x128x128xf32, #tpu.memory_space<hbm>> -> memref<128x128xf32, #tpu.memory_space<hbm>>
        %dma_wait3A_343 = arith.constant 0 : i32
        %dma_wait3A_344 = tpu.memref_slice %arg4[%dma_wait3A_335, %multiple_of3A, %dma_wait3A_343] : memref<50x4096x128xf32, #tpu.memory_space<hbm>> -> memref<1x128x128xf32, #tpu.memory_space<hbm>>
        %dma_wait3A_345 = tpu.memref_squeeze %dma_wait3A_344 : memref<1x128x128xf32, #tpu.memory_space<hbm>> -> memref<128x128xf32, #tpu.memory_space<hbm>>
        %dma_wait3A_346 = arith.constant 0 : i32
        %dma_wait3A_347 = arith.constant 0 : i32
        %dma_wait3A_348 = tpu.memref_slice %arg6[%dma_wait3A_334, %dma_wait3A_346, %dma_wait3A_347] : memref<5x128x128xf32, #tpu.memory_space<vmem>> -> memref<1x128x128xf32, #tpu.memory_space<vmem>>
        %dma_wait3A_349 = tpu.memref_squeeze %dma_wait3A_348 : memref<1x128x128xf32, #tpu.memory_space<vmem>> -> memref<128x128xf32, #tpu.memory_space<vmem>>
        tpu.wait_dma2 semaphore(%arg8 : memref<!tpu.dma_semaphore, #tpu.memory_space<semaphore_mem>>) src(%dma_wait3A_349 : memref<128x128xf32, #tpu.memory_space<vmem>>) dst(%dma_wait3A_345 : memref<128x128xf32, #tpu.memory_space<hbm>>)
      } else {
      }
      %dma_start3A_113 = arith.constant 1 : i32
      %dma_start3A_114 = arith.constant 0 : i32
      %dma_start3A_115 = arith.constant 0 : i32
      %dma_start3A_116 = tpu.memref_slice %arg6[%dma_start3A_113, %dma_start3A_114, %dma_start3A_115] : memref<5x128x128xf32, #tpu.memory_space<vmem>> -> memref<1x128x128xf32, #tpu.memory_space<vmem>>
      %dma_start3A_117 = tpu.memref_squeeze %dma_start3A_116 : memref<1x128x128xf32, #tpu.memory_space<vmem>> -> memref<128x128xf32, #tpu.memory_space<vmem>>
      %dma_start3A_118 = arith.constant 0 : i32
      %dma_start3A_119 = tpu.memref_slice %arg5[%add3A_107, %dma_start3A_118] : memref<50x128xi32, #tpu.memory_space<vmem>> -> memref<1x128xi32, #tpu.memory_space<vmem>>
      %dma_start3A_120 = tpu.memref_squeeze %dma_start3A_119 : memref<1x128xi32, #tpu.memory_space<vmem>> -> memref<128xi32, #tpu.memory_space<vmem>>
      %dma_start3A_121 = arith.constant 0 : i32
      %dma_start3A_122 = arith.constant 0 : i32
      %dma_start3A_123 = tpu.memref_slice %arg3[%dma_start3A_121, %dma_start3A_122] : memref<100000x128xf32, #tpu.memory_space<hbm>> -> memref<100000x128xf32, #tpu.memory_space<hbm>>
      tpu.enqueue_indirect_dma source(%dma_start3A_123 : memref<100000x128xf32, #tpu.memory_space<hbm>>) target(%dma_start3A_117 : memref<128x128xf32, #tpu.memory_space<vmem>>) offsets(%dma_start3A_120 : memref<128xi32, #tpu.memory_space<vmem>>) semaphore(%arg8 : memref<!tpu.dma_semaphore, #tpu.memory_space<semaphore_mem>>)
      %mul3A_124 = arith.constant 5 : i32
      %mul3A_125 = arith.muli %scan3A_87, %mul3A_124 : i32
      %add3A_126 = arith.constant 2 : i32
      %add3A_127 = arith.addi %mul3A_125, %add3A_126 : i32
      %ge3A_128 = arith.constant 1 : i32
      %ge3A_129 = arith.cmpi sge, %scan3A_87, %ge3A_128 : i32
      %convert_element_type3A_130 = arith.extui %ge3A_129 : i1 to i32
      %cond3A_131 = arith.constant 0 : i32
      %cond3A_132 = arith.cmpi ne, %convert_element_type3A_130, %cond3A_131 : i32
      scf.if %cond3A_132 {
        %dma_wait3A_334 = arith.constant 2 : i32
        %dma_wait3A_335 = arith.constant 0 : i32
        %dma_wait3A_336 = arith.constant 0 : i32
        %dma_wait3A_337 = arith.constant 0 : i32
        %dma_wait3A_338 = tpu.memref_slice %arg6[%dma_wait3A_334, %dma_wait3A_336, %dma_wait3A_337] : memref<5x128x128xf32, #tpu.memory_space<vmem>> -> memref<1x128x128xf32, #tpu.memory_space<vmem>>
        %dma_wait3A_339 = tpu.memref_squeeze %dma_wait3A_338 : memref<1x128x128xf32, #tpu.memory_space<vmem>> -> memref<128x128xf32, #tpu.memory_space<vmem>>
        %dma_wait3A_340 = arith.constant 0 : i32
        %dma_wait3A_341 = tpu.memref_slice %arg4[%dma_wait3A_335, %multiple_of3A, %dma_wait3A_340] : memref<50x4096x128xf32, #tpu.memory_space<hbm>> -> memref<1x128x128xf32, #tpu.memory_space<hbm>>
        %dma_wait3A_342 = tpu.memref_squeeze %dma_wait3A_341 : memref<1x128x128xf32, #tpu.memory_space<hbm>> -> memref<128x128xf32, #tpu.memory_space<hbm>>
        %dma_wait3A_343 = arith.constant 0 : i32
        %dma_wait3A_344 = tpu.memref_slice %arg4[%dma_wait3A_335, %multiple_of3A, %dma_wait3A_343] : memref<50x4096x128xf32, #tpu.memory_space<hbm>> -> memref<1x128x128xf32, #tpu.memory_space<hbm>>
        %dma_wait3A_345 = tpu.memref_squeeze %dma_wait3A_344 : memref<1x128x128xf32, #tpu.memory_space<hbm>> -> memref<128x128xf32, #tpu.memory_space<hbm>>
        %dma_wait3A_346 = arith.constant 0 : i32
        %dma_wait3A_347 = arith.constant 0 : i32
        %dma_wait3A_348 = tpu.memref_slice %arg6[%dma_wait3A_334, %dma_wait3A_346, %dma_wait3A_347] : memref<5x128x128xf32, #tpu.memory_space<vmem>> -> memref<1x128x128xf32, #tpu.memory_space<vmem>>
        %dma_wait3A_349 = tpu.memref_squeeze %dma_wait3A_348 : memref<1x128x128xf32, #tpu.memory_space<vmem>> -> memref<128x128xf32, #tpu.memory_space<vmem>>
        tpu.wait_dma2 semaphore(%arg9 : memref<!tpu.dma_semaphore, #tpu.memory_space<semaphore_mem>>) src(%dma_wait3A_349 : memref<128x128xf32, #tpu.memory_space<vmem>>) dst(%dma_wait3A_345 : memref<128x128xf32, #tpu.memory_space<hbm>>)
      } else {
      }
      %dma_start3A_133 = arith.constant 2 : i32
      %dma_start3A_134 = arith.constant 0 : i32
      %dma_start3A_135 = arith.constant 0 : i32
      %dma_start3A_136 = tpu.memref_slice %arg6[%dma_start3A_133, %dma_start3A_134, %dma_start3A_135] : memref<5x128x128xf32, #tpu.memory_space<vmem>> -> memref<1x128x128xf32, #tpu.memory_space<vmem>>
      %dma_start3A_137 = tpu.memref_squeeze %dma_start3A_136 : memref<1x128x128xf32, #tpu.memory_space<vmem>> -> memref<128x128xf32, #tpu.memory_space<vmem>>
      %dma_start3A_138 = arith.constant 0 : i32
      %dma_start3A_139 = tpu.memref_slice %arg5[%add3A_127, %dma_start3A_138] : memref<50x128xi32, #tpu.memory_space<vmem>> -> memref<1x128xi32, #tpu.memory_space<vmem>>
      %dma_start3A_140 = tpu.memref_squeeze %dma_start3A_139 : memref<1x128xi32, #tpu.memory_space<vmem>> -> memref<128xi32, #tpu.memory_space<vmem>>
      %dma_start3A_141 = arith.constant 0 : i32
      %dma_start3A_142 = arith.constant 0 : i32
      %dma_start3A_143 = tpu.memref_slice %arg3[%dma_start3A_141, %dma_start3A_142] : memref<100000x128xf32, #tpu.memory_space<hbm>> -> memref<100000x128xf32, #tpu.memory_space<hbm>>
      tpu.enqueue_indirect_dma source(%dma_start3A_143 : memref<100000x128xf32, #tpu.memory_space<hbm>>) target(%dma_start3A_137 : memref<128x128xf32, #tpu.memory_space<vmem>>) offsets(%dma_start3A_140 : memref<128xi32, #tpu.memory_space<vmem>>) semaphore(%arg9 : memref<!tpu.dma_semaphore, #tpu.memory_space<semaphore_mem>>)
      %mul3A_144 = arith.constant 5 : i32
      %mul3A_145 = arith.muli %scan3A_87, %mul3A_144 : i32
      %add3A_146 = arith.constant 3 : i32
      %add3A_147 = arith.addi %mul3A_145, %add3A_146 : i32
      %ge3A_148 = arith.constant 1 : i32
      %ge3A_149 = arith.cmpi sge, %scan3A_87, %ge3A_148 : i32
      %convert_element_type3A_150 = arith.extui %ge3A_149 : i1 to i32
      %cond3A_151 = arith.constant 0 : i32
      %cond3A_152 = arith.cmpi ne, %convert_element_type3A_150, %cond3A_151 : i32
      scf.if %cond3A_152 {
        %dma_wait3A_334 = arith.constant 3 : i32
        %dma_wait3A_335 = arith.constant 0 : i32
        %dma_wait3A_336 = arith.constant 0 : i32
        %dma_wait3A_337 = arith.constant 0 : i32
        %dma_wait3A_338 = tpu.memref_slice %arg6[%dma_wait3A_334, %dma_wait3A_336, %dma_wait3A_337] : memref<5x128x128xf32, #tpu.memory_space<vmem>> -> memref<1x128x128xf32, #tpu.memory_space<vmem>>
        %dma_wait3A_339 = tpu.memref_squeeze %dma_wait3A_338 : memref<1x128x128xf32, #tpu.memory_space<vmem>> -> memref<128x128xf32, #tpu.memory_space<vmem>>
        %dma_wait3A_340 = arith.constant 0 : i32
        %dma_wait3A_341 = tpu.memref_slice %arg4[%dma_wait3A_335, %multiple_of3A, %dma_wait3A_340] : memref<50x4096x128xf32, #tpu.memory_space<hbm>> -> memref<1x128x128xf32, #tpu.memory_space<hbm>>
        %dma_wait3A_342 = tpu.memref_squeeze %dma_wait3A_341 : memref<1x128x128xf32, #tpu.memory_space<hbm>> -> memref<128x128xf32, #tpu.memory_space<hbm>>
        %dma_wait3A_343 = arith.constant 0 : i32
        %dma_wait3A_344 = tpu.memref_slice %arg4[%dma_wait3A_335, %multiple_of3A, %dma_wait3A_343] : memref<50x4096x128xf32, #tpu.memory_space<hbm>> -> memref<1x128x128xf32, #tpu.memory_space<hbm>>
        %dma_wait3A_345 = tpu.memref_squeeze %dma_wait3A_344 : memref<1x128x128xf32, #tpu.memory_space<hbm>> -> memref<128x128xf32, #tpu.memory_space<hbm>>
        %dma_wait3A_346 = arith.constant 0 : i32
        %dma_wait3A_347 = arith.constant 0 : i32
        %dma_wait3A_348 = tpu.memref_slice %arg6[%dma_wait3A_334, %dma_wait3A_346, %dma_wait3A_347] : memref<5x128x128xf32, #tpu.memory_space<vmem>> -> memref<1x128x128xf32, #tpu.memory_space<vmem>>
        %dma_wait3A_349 = tpu.memref_squeeze %dma_wait3A_348 : memref<1x128x128xf32, #tpu.memory_space<vmem>> -> memref<128x128xf32, #tpu.memory_space<vmem>>
        tpu.wait_dma2 semaphore(%arg10 : memref<!tpu.dma_semaphore, #tpu.memory_space<semaphore_mem>>) src(%dma_wait3A_349 : memref<128x128xf32, #tpu.memory_space<vmem>>) dst(%dma_wait3A_345 : memref<128x128xf32, #tpu.memory_space<hbm>>)
      } else {
      }
      %dma_start3A_153 = arith.constant 3 : i32
      %dma_start3A_154 = arith.constant 0 : i32
      %dma_start3A_155 = arith.constant 0 : i32
      %dma_start3A_156 = tpu.memref_slice %arg6[%dma_start3A_153, %dma_start3A_154, %dma_start3A_155] : memref<5x128x128xf32, #tpu.memory_space<vmem>> -> memref<1x128x128xf32, #tpu.memory_space<vmem>>
      %dma_start3A_157 = tpu.memref_squeeze %dma_start3A_156 : memref<1x128x128xf32, #tpu.memory_space<vmem>> -> memref<128x128xf32, #tpu.memory_space<vmem>>
      %dma_start3A_158 = arith.constant 0 : i32
      %dma_start3A_159 = tpu.memref_slice %arg5[%add3A_147, %dma_start3A_158] : memref<50x128xi32, #tpu.memory_space<vmem>> -> memref<1x128xi32, #tpu.memory_space<vmem>>
      %dma_start3A_160 = tpu.memref_squeeze %dma_start3A_159 : memref<1x128xi32, #tpu.memory_space<vmem>> -> memref<128xi32, #tpu.memory_space<vmem>>
      %dma_start3A_161 = arith.constant 0 : i32
      %dma_start3A_162 = arith.constant 0 : i32
      %dma_start3A_163 = tpu.memref_slice %arg3[%dma_start3A_161, %dma_start3A_162] : memref<100000x128xf32, #tpu.memory_space<hbm>> -> memref<100000x128xf32, #tpu.memory_space<hbm>>
      tpu.enqueue_indirect_dma source(%dma_start3A_163 : memref<100000x128xf32, #tpu.memory_space<hbm>>) target(%dma_start3A_157 : memref<128x128xf32, #tpu.memory_space<vmem>>) offsets(%dma_start3A_160 : memref<128xi32, #tpu.memory_space<vmem>>) semaphore(%arg10 : memref<!tpu.dma_semaphore, #tpu.memory_space<semaphore_mem>>)
      %mul3A_164 = arith.constant 5 : i32
      %mul3A_165 = arith.muli %scan3A_87, %mul3A_164 : i32
      %add3A_166 = arith.constant 4 : i32
      %add3A_167 = arith.addi %mul3A_165, %add3A_166 : i32
      %ge3A_168 = arith.constant 1 : i32
      %ge3A_169 = arith.cmpi sge, %scan3A_87, %ge3A_168 : i32
      %convert_element_type3A_170 = arith.extui %ge3A_169 : i1 to i32
      %cond3A_171 = arith.constant 0 : i32
      %cond3A_172 = arith.cmpi ne, %convert_element_type3A_170, %cond3A_171 : i32
      scf.if %cond3A_172 {
        %dma_wait3A_334 = arith.constant 4 : i32
        %dma_wait3A_335 = arith.constant 0 : i32
        %dma_wait3A_336 = arith.constant 0 : i32
        %dma_wait3A_337 = arith.constant 0 : i32
        %dma_wait3A_338 = tpu.memref_slice %arg6[%dma_wait3A_334, %dma_wait3A_336, %dma_wait3A_337] : memref<5x128x128xf32, #tpu.memory_space<vmem>> -> memref<1x128x128xf32, #tpu.memory_space<vmem>>
        %dma_wait3A_339 = tpu.memref_squeeze %dma_wait3A_338 : memref<1x128x128xf32, #tpu.memory_space<vmem>> -> memref<128x128xf32, #tpu.memory_space<vmem>>
        %dma_wait3A_340 = arith.constant 0 : i32
        %dma_wait3A_341 = tpu.memref_slice %arg4[%dma_wait3A_335, %multiple_of3A, %dma_wait3A_340] : memref<50x4096x128xf32, #tpu.memory_space<hbm>> -> memref<1x128x128xf32, #tpu.memory_space<hbm>>
        %dma_wait3A_342 = tpu.memref_squeeze %dma_wait3A_341 : memref<1x128x128xf32, #tpu.memory_space<hbm>> -> memref<128x128xf32, #tpu.memory_space<hbm>>
        %dma_wait3A_343 = arith.constant 0 : i32
        %dma_wait3A_344 = tpu.memref_slice %arg4[%dma_wait3A_335, %multiple_of3A, %dma_wait3A_343] : memref<50x4096x128xf32, #tpu.memory_space<hbm>> -> memref<1x128x128xf32, #tpu.memory_space<hbm>>
        %dma_wait3A_345 = tpu.memref_squeeze %dma_wait3A_344 : memref<1x128x128xf32, #tpu.memory_space<hbm>> -> memref<128x128xf32, #tpu.memory_space<hbm>>
        %dma_wait3A_346 = arith.constant 0 : i32
        %dma_wait3A_347 = arith.constant 0 : i32
        %dma_wait3A_348 = tpu.memref_slice %arg6[%dma_wait3A_334, %dma_wait3A_346, %dma_wait3A_347] : memref<5x128x128xf32, #tpu.memory_space<vmem>> -> memref<1x128x128xf32, #tpu.memory_space<vmem>>
        %dma_wait3A_349 = tpu.memref_squeeze %dma_wait3A_348 : memref<1x128x128xf32, #tpu.memory_space<vmem>> -> memref<128x128xf32, #tpu.memory_space<vmem>>
        tpu.wait_dma2 semaphore(%arg11 : memref<!tpu.dma_semaphore, #tpu.memory_space<semaphore_mem>>) src(%dma_wait3A_349 : memref<128x128xf32, #tpu.memory_space<vmem>>) dst(%dma_wait3A_345 : memref<128x128xf32, #tpu.memory_space<hbm>>)
      } else {
      }
      %dma_start3A_173 = arith.constant 4 : i32
      %dma_start3A_174 = arith.constant 0 : i32
      %dma_start3A_175 = arith.constant 0 : i32
      %dma_start3A_176 = tpu.memref_slice %arg6[%dma_start3A_173, %dma_start3A_174, %dma_start3A_175] : memref<5x128x128xf32, #tpu.memory_space<vmem>> -> memref<1x128x128xf32, #tpu.memory_space<vmem>>
      %dma_start3A_177 = tpu.memref_squeeze %dma_start3A_176 : memref<1x128x128xf32, #tpu.memory_space<vmem>> -> memref<128x128xf32, #tpu.memory_space<vmem>>
      %dma_start3A_178 = arith.constant 0 : i32
      %dma_start3A_179 = tpu.memref_slice %arg5[%add3A_167, %dma_start3A_178] : memref<50x128xi32, #tpu.memory_space<vmem>> -> memref<1x128xi32, #tpu.memory_space<vmem>>
      %dma_start3A_180 = tpu.memref_squeeze %dma_start3A_179 : memref<1x128xi32, #tpu.memory_space<vmem>> -> memref<128xi32, #tpu.memory_space<vmem>>
      %dma_start3A_181 = arith.constant 0 : i32
      %dma_start3A_182 = arith.constant 0 : i32
      %dma_start3A_183 = tpu.memref_slice %arg3[%dma_start3A_181, %dma_start3A_182] : memref<100000x128xf32, #tpu.memory_space<hbm>> -> memref<100000x128xf32, #tpu.memory_space<hbm>>
      tpu.enqueue_indirect_dma source(%dma_start3A_183 : memref<100000x128xf32, #tpu.memory_space<hbm>>) target(%dma_start3A_177 : memref<128x128xf32, #tpu.memory_space<vmem>>) offsets(%dma_start3A_180 : memref<128xi32, #tpu.memory_space<vmem>>) semaphore(%arg11 : memref<!tpu.dma_semaphore, #tpu.memory_space<semaphore_mem>>)
      %mul3A_184 = arith.constant 5 : i32
      %mul3A_185 = arith.muli %scan3A_87, %mul3A_184 : i32
      %add3A_186 = arith.constant 0 : i32
      %add3A_187 = arith.addi %mul3A_185, %add3A_186 : i32
      %dma_wait3A_188 = arith.constant 0 : i32
      %dma_wait3A_189 = arith.constant 0 : i32
      %dma_wait3A_190 = arith.constant 0 : i32
      %dma_wait3A_191 = tpu.memref_slice %arg6[%dma_wait3A_188, %dma_wait3A_189, %dma_wait3A_190] : memref<5x128x128xf32, #tpu.memory_space<vmem>> -> memref<1x128x128xf32, #tpu.memory_space<vmem>>
      %dma_wait3A_192 = tpu.memref_squeeze %dma_wait3A_191 : memref<1x128x128xf32, #tpu.memory_space<vmem>> -> memref<128x128xf32, #tpu.memory_space<vmem>>
      %dma_wait3A_193 = arith.constant 0 : i32
      %dma_wait3A_194 = tpu.memref_slice %arg5[%add3A_187, %dma_wait3A_193] : memref<50x128xi32, #tpu.memory_space<vmem>> -> memref<1x128xi32, #tpu.memory_space<vmem>>
      %dma_wait3A_195 = tpu.memref_squeeze %dma_wait3A_194 : memref<1x128xi32, #tpu.memory_space<vmem>> -> memref<128xi32, #tpu.memory_space<vmem>>
      %dma_wait3A_196 = arith.constant 0 : i32
      %dma_wait3A_197 = arith.constant 0 : i32
      %dma_wait3A_198 = tpu.memref_slice %arg3[%dma_wait3A_196, %dma_wait3A_197] : memref<100000x128xf32, #tpu.memory_space<hbm>> -> memref<100000x128xf32, #tpu.memory_space<hbm>>
      tpu.wait_indirect_dma semaphore(%arg7 : memref<!tpu.dma_semaphore, #tpu.memory_space<semaphore_mem>>) src(%dma_wait3A_198 : memref<100000x128xf32, #tpu.memory_space<hbm>>) dst(%dma_wait3A_192 : memref<128x128xf32, #tpu.memory_space<vmem>>)
      %dma_start3A_199 = arith.constant 0 : i32
      %dma_start3A_200 = arith.constant 0 : i32
      %dma_start3A_201 = arith.constant 0 : i32
      %dma_start3A_202 = tpu.memref_slice %arg6[%dma_start3A_199, %dma_start3A_200, %dma_start3A_201] : memref<5x128x128xf32, #tpu.memory_space<vmem>> -> memref<1x128x128xf32, #tpu.memory_space<vmem>>
      %dma_start3A_203 = tpu.memref_squeeze %dma_start3A_202 : memref<1x128x128xf32, #tpu.memory_space<vmem>> -> memref<128x128xf32, #tpu.memory_space<vmem>>
      %dma_start3A_204 = arith.constant 0 : i32
      %dma_start3A_205 = tpu.memref_slice %arg4[%add3A_187, %multiple_of3A, %dma_start3A_204] : memref<50x4096x128xf32, #tpu.memory_space<hbm>> -> memref<1x128x128xf32, #tpu.memory_space<hbm>>
      %dma_start3A_206 = tpu.memref_squeeze %dma_start3A_205 : memref<1x128x128xf32, #tpu.memory_space<hbm>> -> memref<128x128xf32, #tpu.memory_space<hbm>>
      %dma_start3A_207 = arith.constant 0 : i32
      %dma_start3A_208 = tpu.memref_slice %arg4[%add3A_187, %multiple_of3A, %dma_start3A_207] : memref<50x4096x128xf32, #tpu.memory_space<hbm>> -> memref<1x128x128xf32, #tpu.memory_space<hbm>>
      %dma_start3A_209 = tpu.memref_squeeze %dma_start3A_208 : memref<1x128x128xf32, #tpu.memory_space<hbm>> -> memref<128x128xf32, #tpu.memory_space<hbm>>
      %dma_start3A_210 = arith.constant 0 : i32
      %dma_start3A_211 = arith.constant 0 : i32
      %dma_start3A_212 = tpu.memref_slice %arg6[%dma_start3A_199, %dma_start3A_210, %dma_start3A_211] : memref<5x128x128xf32, #tpu.memory_space<vmem>> -> memref<1x128x128xf32, #tpu.memory_space<vmem>>
      %dma_start3A_213 = tpu.memref_squeeze %dma_start3A_212 : memref<1x128x128xf32, #tpu.memory_space<vmem>> -> memref<128x128xf32, #tpu.memory_space<vmem>>
      tpu.enqueue_dma source(%dma_start3A_213 : memref<128x128xf32, #tpu.memory_space<vmem>>) target(%dma_start3A_209 : memref<128x128xf32, #tpu.memory_space<hbm>>) target_semaphore(%arg7 : memref<!tpu.dma_semaphore, #tpu.memory_space<semaphore_mem>>)
      %mul3A_214 = arith.constant 5 : i32
      %mul3A_215 = arith.muli %scan3A_87, %mul3A_214 : i32
      %add3A_216 = arith.constant 1 : i32
      %add3A_217 = arith.addi %mul3A_215, %add3A_216 : i32
      %dma_wait3A_218 = arith.constant 1 : i32
      %dma_wait3A_219 = arith.constant 0 : i32
      %dma_wait3A_220 = arith.constant 0 : i32
      %dma_wait3A_221 = tpu.memref_slice %arg6[%dma_wait3A_218, %dma_wait3A_219, %dma_wait3A_220] : memref<5x128x128xf32, #tpu.memory_space<vmem>> -> memref<1x128x128xf32, #tpu.memory_space<vmem>>
      %dma_wait3A_222 = tpu.memref_squeeze %dma_wait3A_221 : memref<1x128x128xf32, #tpu.memory_space<vmem>> -> memref<128x128xf32, #tpu.memory_space<vmem>>
      %dma_wait3A_223 = arith.constant 0 : i32
      %dma_wait3A_224 = tpu.memref_slice %arg5[%add3A_217, %dma_wait3A_223] : memref<50x128xi32, #tpu.memory_space<vmem>> -> memref<1x128xi32, #tpu.memory_space<vmem>>
      %dma_wait3A_225 = tpu.memref_squeeze %dma_wait3A_224 : memref<1x128xi32, #tpu.memory_space<vmem>> -> memref<128xi32, #tpu.memory_space<vmem>>
      %dma_wait3A_226 = arith.constant 0 : i32
      %dma_wait3A_227 = arith.constant 0 : i32
      %dma_wait3A_228 = tpu.memref_slice %arg3[%dma_wait3A_226, %dma_wait3A_227] : memref<100000x128xf32, #tpu.memory_space<hbm>> -> memref<100000x128xf32, #tpu.memory_space<hbm>>
      tpu.wait_indirect_dma semaphore(%arg8 : memref<!tpu.dma_semaphore, #tpu.memory_space<semaphore_mem>>) src(%dma_wait3A_228 : memref<100000x128xf32, #tpu.memory_space<hbm>>) dst(%dma_wait3A_222 : memref<128x128xf32, #tpu.memory_space<vmem>>)
      %dma_start3A_229 = arith.constant 1 : i32
      %dma_start3A_230 = arith.constant 0 : i32
      %dma_start3A_231 = arith.constant 0 : i32
      %dma_start3A_232 = tpu.memref_slice %arg6[%dma_start3A_229, %dma_start3A_230, %dma_start3A_231] : memref<5x128x128xf32, #tpu.memory_space<vmem>> -> memref<1x128x128xf32, #tpu.memory_space<vmem>>
      %dma_start3A_233 = tpu.memref_squeeze %dma_start3A_232 : memref<1x128x128xf32, #tpu.memory_space<vmem>> -> memref<128x128xf32, #tpu.memory_space<vmem>>
      %dma_start3A_234 = arith.constant 0 : i32
      %dma_start3A_235 = tpu.memref_slice %arg4[%add3A_217, %multiple_of3A, %dma_start3A_234] : memref<50x4096x128xf32, #tpu.memory_space<hbm>> -> memref<1x128x128xf32, #tpu.memory_space<hbm>>
      %dma_start3A_236 = tpu.memref_squeeze %dma_start3A_235 : memref<1x128x128xf32, #tpu.memory_space<hbm>> -> memref<128x128xf32, #tpu.memory_space<hbm>>
      %dma_start3A_237 = arith.constant 0 : i32
      %dma_start3A_238 = tpu.memref_slice %arg4[%add3A_217, %multiple_of3A, %dma_start3A_237] : memref<50x4096x128xf32, #tpu.memory_space<hbm>> -> memref<1x128x128xf32, #tpu.memory_space<hbm>>
      %dma_start3A_239 = tpu.memref_squeeze %dma_start3A_238 : memref<1x128x128xf32, #tpu.memory_space<hbm>> -> memref<128x128xf32, #tpu.memory_space<hbm>>
      %dma_start3A_240 = arith.constant 0 : i32
      %dma_start3A_241 = arith.constant 0 : i32
      %dma_start3A_242 = tpu.memref_slice %arg6[%dma_start3A_229, %dma_start3A_240, %dma_start3A_241] : memref<5x128x128xf32, #tpu.memory_space<vmem>> -> memref<1x128x128xf32, #tpu.memory_space<vmem>>
      %dma_start3A_243 = tpu.memref_squeeze %dma_start3A_242 : memref<1x128x128xf32, #tpu.memory_space<vmem>> -> memref<128x128xf32, #tpu.memory_space<vmem>>
      tpu.enqueue_dma source(%dma_start3A_243 : memref<128x128xf32, #tpu.memory_space<vmem>>) target(%dma_start3A_239 : memref<128x128xf32, #tpu.memory_space<hbm>>) target_semaphore(%arg8 : memref<!tpu.dma_semaphore, #tpu.memory_space<semaphore_mem>>)
      %mul3A_244 = arith.constant 5 : i32
      %mul3A_245 = arith.muli %scan3A_87, %mul3A_244 : i32
      %add3A_246 = arith.constant 2 : i32
      %add3A_247 = arith.addi %mul3A_245, %add3A_246 : i32
      %dma_wait3A_248 = arith.constant 2 : i32
      %dma_wait3A_249 = arith.constant 0 : i32
      %dma_wait3A_250 = arith.constant 0 : i32
      %dma_wait3A_251 = tpu.memref_slice %arg6[%dma_wait3A_248, %dma_wait3A_249, %dma_wait3A_250] : memref<5x128x128xf32, #tpu.memory_space<vmem>> -> memref<1x128x128xf32, #tpu.memory_space<vmem>>
      %dma_wait3A_252 = tpu.memref_squeeze %dma_wait3A_251 : memref<1x128x128xf32, #tpu.memory_space<vmem>> -> memref<128x128xf32, #tpu.memory_space<vmem>>
      %dma_wait3A_253 = arith.constant 0 : i32
      %dma_wait3A_254 = tpu.memref_slice %arg5[%add3A_247, %dma_wait3A_253] : memref<50x128xi32, #tpu.memory_space<vmem>> -> memref<1x128xi32, #tpu.memory_space<vmem>>
      %dma_wait3A_255 = tpu.memref_squeeze %dma_wait3A_254 : memref<1x128xi32, #tpu.memory_space<vmem>> -> memref<128xi32, #tpu.memory_space<vmem>>
      %dma_wait3A_256 = arith.constant 0 : i32
      %dma_wait3A_257 = arith.constant 0 : i32
      %dma_wait3A_258 = tpu.memref_slice %arg3[%dma_wait3A_256, %dma_wait3A_257] : memref<100000x128xf32, #tpu.memory_space<hbm>> -> memref<100000x128xf32, #tpu.memory_space<hbm>>
      tpu.wait_indirect_dma semaphore(%arg9 : memref<!tpu.dma_semaphore, #tpu.memory_space<semaphore_mem>>) src(%dma_wait3A_258 : memref<100000x128xf32, #tpu.memory_space<hbm>>) dst(%dma_wait3A_252 : memref<128x128xf32, #tpu.memory_space<vmem>>)
      %dma_start3A_259 = arith.constant 2 : i32
      %dma_start3A_260 = arith.constant 0 : i32
      %dma_start3A_261 = arith.constant 0 : i32
      %dma_start3A_262 = tpu.memref_slice %arg6[%dma_start3A_259, %dma_start3A_260, %dma_start3A_261] : memref<5x128x128xf32, #tpu.memory_space<vmem>> -> memref<1x128x128xf32, #tpu.memory_space<vmem>>
      %dma_start3A_263 = tpu.memref_squeeze %dma_start3A_262 : memref<1x128x128xf32, #tpu.memory_space<vmem>> -> memref<128x128xf32, #tpu.memory_space<vmem>>
      %dma_start3A_264 = arith.constant 0 : i32
      %dma_start3A_265 = tpu.memref_slice %arg4[%add3A_247, %multiple_of3A, %dma_start3A_264] : memref<50x4096x128xf32, #tpu.memory_space<hbm>> -> memref<1x128x128xf32, #tpu.memory_space<hbm>>
      %dma_start3A_266 = tpu.memref_squeeze %dma_start3A_265 : memref<1x128x128xf32, #tpu.memory_space<hbm>> -> memref<128x128xf32, #tpu.memory_space<hbm>>
      %dma_start3A_267 = arith.constant 0 : i32
      %dma_start3A_268 = tpu.memref_slice %arg4[%add3A_247, %multiple_of3A, %dma_start3A_267] : memref<50x4096x128xf32, #tpu.memory_space<hbm>> -> memref<1x128x128xf32, #tpu.memory_space<hbm>>
      %dma_start3A_269 = tpu.memref_squeeze %dma_start3A_268 : memref<1x128x128xf32, #tpu.memory_space<hbm>> -> memref<128x128xf32, #tpu.memory_space<hbm>>
      %dma_start3A_270 = arith.constant 0 : i32
      %dma_start3A_271 = arith.constant 0 : i32
      %dma_start3A_272 = tpu.memref_slice %arg6[%dma_start3A_259, %dma_start3A_270, %dma_start3A_271] : memref<5x128x128xf32, #tpu.memory_space<vmem>> -> memref<1x128x128xf32, #tpu.memory_space<vmem>>
      %dma_start3A_273 = tpu.memref_squeeze %dma_start3A_272 : memref<1x128x128xf32, #tpu.memory_space<vmem>> -> memref<128x128xf32, #tpu.memory_space<vmem>>
      tpu.enqueue_dma source(%dma_start3A_273 : memref<128x128xf32, #tpu.memory_space<vmem>>) target(%dma_start3A_269 : memref<128x128xf32, #tpu.memory_space<hbm>>) target_semaphore(%arg9 : memref<!tpu.dma_semaphore, #tpu.memory_space<semaphore_mem>>)
      %mul3A_274 = arith.constant 5 : i32
      %mul3A_275 = arith.muli %scan3A_87, %mul3A_274 : i32
      %add3A_276 = arith.constant 3 : i32
      %add3A_277 = arith.addi %mul3A_275, %add3A_276 : i32
      %dma_wait3A_278 = arith.constant 3 : i32
      %dma_wait3A_279 = arith.constant 0 : i32
      %dma_wait3A_280 = arith.constant 0 : i32
      %dma_wait3A_281 = tpu.memref_slice %arg6[%dma_wait3A_278, %dma_wait3A_279, %dma_wait3A_280] : memref<5x128x128xf32, #tpu.memory_space<vmem>> -> memref<1x128x128xf32, #tpu.memory_space<vmem>>
      %dma_wait3A_282 = tpu.memref_squeeze %dma_wait3A_281 : memref<1x128x128xf32, #tpu.memory_space<vmem>> -> memref<128x128xf32, #tpu.memory_space<vmem>>
      %dma_wait3A_283 = arith.constant 0 : i32
      %dma_wait3A_284 = tpu.memref_slice %arg5[%add3A_277, %dma_wait3A_283] : memref<50x128xi32, #tpu.memory_space<vmem>> -> memref<1x128xi32, #tpu.memory_space<vmem>>
      %dma_wait3A_285 = tpu.memref_squeeze %dma_wait3A_284 : memref<1x128xi32, #tpu.memory_space<vmem>> -> memref<128xi32, #tpu.memory_space<vmem>>
      %dma_wait3A_286 = arith.constant 0 : i32
      %dma_wait3A_287 = arith.constant 0 : i32
      %dma_wait3A_288 = tpu.memref_slice %arg3[%dma_wait3A_286, %dma_wait3A_287] : memref<100000x128xf32, #tpu.memory_space<hbm>> -> memref<100000x128xf32, #tpu.memory_space<hbm>>
      tpu.wait_indirect_dma semaphore(%arg10 : memref<!tpu.dma_semaphore, #tpu.memory_space<semaphore_mem>>) src(%dma_wait3A_288 : memref<100000x128xf32, #tpu.memory_space<hbm>>) dst(%dma_wait3A_282 : memref<128x128xf32, #tpu.memory_space<vmem>>)
      %dma_start3A_289 = arith.constant 3 : i32
      %dma_start3A_290 = arith.constant 0 : i32
      %dma_start3A_291 = arith.constant 0 : i32
      %dma_start3A_292 = tpu.memref_slice %arg6[%dma_start3A_289, %dma_start3A_290, %dma_start3A_291] : memref<5x128x128xf32, #tpu.memory_space<vmem>> -> memref<1x128x128xf32, #tpu.memory_space<vmem>>
      %dma_start3A_293 = tpu.memref_squeeze %dma_start3A_292 : memref<1x128x128xf32, #tpu.memory_space<vmem>> -> memref<128x128xf32, #tpu.memory_space<vmem>>
      %dma_start3A_294 = arith.constant 0 : i32
      %dma_start3A_295 = tpu.memref_slice %arg4[%add3A_277, %multiple_of3A, %dma_start3A_294] : memref<50x4096x128xf32, #tpu.memory_space<hbm>> -> memref<1x128x128xf32, #tpu.memory_space<hbm>>
      %dma_start3A_296 = tpu.memref_squeeze %dma_start3A_295 : memref<1x128x128xf32, #tpu.memory_space<hbm>> -> memref<128x128xf32, #tpu.memory_space<hbm>>
      %dma_start3A_297 = arith.constant 0 : i32
      %dma_start3A_298 = tpu.memref_slice %arg4[%add3A_277, %multiple_of3A, %dma_start3A_297] : memref<50x4096x128xf32, #tpu.memory_space<hbm>> -> memref<1x128x128xf32, #tpu.memory_space<hbm>>
      %dma_start3A_299 = tpu.memref_squeeze %dma_start3A_298 : memref<1x128x128xf32, #tpu.memory_space<hbm>> -> memref<128x128xf32, #tpu.memory_space<hbm>>
      %dma_start3A_300 = arith.constant 0 : i32
      %dma_start3A_301 = arith.constant 0 : i32
      %dma_start3A_302 = tpu.memref_slice %arg6[%dma_start3A_289, %dma_start3A_300, %dma_start3A_301] : memref<5x128x128xf32, #tpu.memory_space<vmem>> -> memref<1x128x128xf32, #tpu.memory_space<vmem>>
      %dma_start3A_303 = tpu.memref_squeeze %dma_start3A_302 : memref<1x128x128xf32, #tpu.memory_space<vmem>> -> memref<128x128xf32, #tpu.memory_space<vmem>>
      tpu.enqueue_dma source(%dma_start3A_303 : memref<128x128xf32, #tpu.memory_space<vmem>>) target(%dma_start3A_299 : memref<128x128xf32, #tpu.memory_space<hbm>>) target_semaphore(%arg10 : memref<!tpu.dma_semaphore, #tpu.memory_space<semaphore_mem>>)
      %mul3A_304 = arith.constant 5 : i32
      %mul3A_305 = arith.muli %scan3A_87, %mul3A_304 : i32
      %add3A_306 = arith.constant 4 : i32
      %add3A_307 = arith.addi %mul3A_305, %add3A_306 : i32
      %dma_wait3A_308 = arith.constant 4 : i32
      %dma_wait3A_309 = arith.constant 0 : i32
      %dma_wait3A_310 = arith.constant 0 : i32
      %dma_wait3A_311 = tpu.memref_slice %arg6[%dma_wait3A_308, %dma_wait3A_309, %dma_wait3A_310] : memref<5x128x128xf32, #tpu.memory_space<vmem>> -> memref<1x128x128xf32, #tpu.memory_space<vmem>>
      %dma_wait3A_312 = tpu.memref_squeeze %dma_wait3A_311 : memref<1x128x128xf32, #tpu.memory_space<vmem>> -> memref<128x128xf32, #tpu.memory_space<vmem>>
      %dma_wait3A_313 = arith.constant 0 : i32
      %dma_wait3A_314 = tpu.memref_slice %arg5[%add3A_307, %dma_wait3A_313] : memref<50x128xi32, #tpu.memory_space<vmem>> -> memref<1x128xi32, #tpu.memory_space<vmem>>
      %dma_wait3A_315 = tpu.memref_squeeze %dma_wait3A_314 : memref<1x128xi32, #tpu.memory_space<vmem>> -> memref<128xi32, #tpu.memory_space<vmem>>
      %dma_wait3A_316 = arith.constant 0 : i32
      %dma_wait3A_317 = arith.constant 0 : i32
      %dma_wait3A_318 = tpu.memref_slice %arg3[%dma_wait3A_316, %dma_wait3A_317] : memref<100000x128xf32, #tpu.memory_space<hbm>> -> memref<100000x128xf32, #tpu.memory_space<hbm>>
      tpu.wait_indirect_dma semaphore(%arg11 : memref<!tpu.dma_semaphore, #tpu.memory_space<semaphore_mem>>) src(%dma_wait3A_318 : memref<100000x128xf32, #tpu.memory_space<hbm>>) dst(%dma_wait3A_312 : memref<128x128xf32, #tpu.memory_space<vmem>>)
      %dma_start3A_319 = arith.constant 4 : i32
      %dma_start3A_320 = arith.constant 0 : i32
      %dma_start3A_321 = arith.constant 0 : i32
      %dma_start3A_322 = tpu.memref_slice %arg6[%dma_start3A_319, %dma_start3A_320, %dma_start3A_321] : memref<5x128x128xf32, #tpu.memory_space<vmem>> -> memref<1x128x128xf32, #tpu.memory_space<vmem>>
      %dma_start3A_323 = tpu.memref_squeeze %dma_start3A_322 : memref<1x128x128xf32, #tpu.memory_space<vmem>> -> memref<128x128xf32, #tpu.memory_space<vmem>>
      %dma_start3A_324 = arith.constant 0 : i32
      %dma_start3A_325 = tpu.memref_slice %arg4[%add3A_307, %multiple_of3A, %dma_start3A_324] : memref<50x4096x128xf32, #tpu.memory_space<hbm>> -> memref<1x128x128xf32, #tpu.memory_space<hbm>>
      %dma_start3A_326 = tpu.memref_squeeze %dma_start3A_325 : memref<1x128x128xf32, #tpu.memory_space<hbm>> -> memref<128x128xf32, #tpu.memory_space<hbm>>
      %dma_start3A_327 = arith.constant 0 : i32
      %dma_start3A_328 = tpu.memref_slice %arg4[%add3A_307, %multiple_of3A, %dma_start3A_327] : memref<50x4096x128xf32, #tpu.memory_space<hbm>> -> memref<1x128x128xf32, #tpu.memory_space<hbm>>
      %dma_start3A_329 = tpu.memref_squeeze %dma_start3A_328 : memref<1x128x128xf32, #tpu.memory_space<hbm>> -> memref<128x128xf32, #tpu.memory_space<hbm>>
      %dma_start3A_330 = arith.constant 0 : i32
      %dma_start3A_331 = arith.constant 0 : i32
      %dma_start3A_332 = tpu.memref_slice %arg6[%dma_start3A_319, %dma_start3A_330, %dma_start3A_331] : memref<5x128x128xf32, #tpu.memory_space<vmem>> -> memref<1x128x128xf32, #tpu.memory_space<vmem>>
      %dma_start3A_333 = tpu.memref_squeeze %dma_start3A_332 : memref<1x128x128xf32, #tpu.memory_space<vmem>> -> memref<128x128xf32, #tpu.memory_space<vmem>>
      tpu.enqueue_dma source(%dma_start3A_333 : memref<128x128xf32, #tpu.memory_space<vmem>>) target(%dma_start3A_329 : memref<128x128xf32, #tpu.memory_space<hbm>>) target_semaphore(%arg11 : memref<!tpu.dma_semaphore, #tpu.memory_space<semaphore_mem>>)
    }
    %scan3A_7 = arith.constant 10 : i32
    %dma_wait3A = arith.constant 0 : i32
    %dma_wait3A_8 = arith.constant 0 : i32
    %dma_wait3A_9 = arith.constant 0 : i32
    %dma_wait3A_10 = arith.constant 0 : i32
    %dma_wait3A_11 = tpu.memref_slice %arg6[%dma_wait3A, %dma_wait3A_9, %dma_wait3A_10] : memref<5x128x128xf32, #tpu.memory_space<vmem>> -> memref<1x128x128xf32, #tpu.memory_space<vmem>>
    %dma_wait3A_12 = tpu.memref_squeeze %dma_wait3A_11 : memref<1x128x128xf32, #tpu.memory_space<vmem>> -> memref<128x128xf32, #tpu.memory_space<vmem>>
    %dma_wait3A_13 = arith.constant 0 : i32
    %dma_wait3A_14 = tpu.memref_slice %arg4[%dma_wait3A_8, %multiple_of3A, %dma_wait3A_13] : memref<50x4096x128xf32, #tpu.memory_space<hbm>> -> memref<1x128x128xf32, #tpu.memory_space<hbm>>
    %dma_wait3A_15 = tpu.memref_squeeze %dma_wait3A_14 : memref<1x128x128xf32, #tpu.memory_space<hbm>> -> memref<128x128xf32, #tpu.memory_space<hbm>>
    %dma_wait3A_16 = arith.constant 0 : i32
    %dma_wait3A_17 = tpu.memref_slice %arg4[%dma_wait3A_8, %multiple_of3A, %dma_wait3A_16] : memref<50x4096x128xf32, #tpu.memory_space<hbm>> -> memref<1x128x128xf32, #tpu.memory_space<hbm>>
    %dma_wait3A_18 = tpu.memref_squeeze %dma_wait3A_17 : memref<1x128x128xf32, #tpu.memory_space<hbm>> -> memref<128x128xf32, #tpu.memory_space<hbm>>
    %dma_wait3A_19 = arith.constant 0 : i32
    %dma_wait3A_20 = arith.constant 0 : i32
    %dma_wait3A_21 = tpu.memref_slice %arg6[%dma_wait3A, %dma_wait3A_19, %dma_wait3A_20] : memref<5x128x128xf32, #tpu.memory_space<vmem>> -> memref<1x128x128xf32, #tpu.memory_space<vmem>>
    %dma_wait3A_22 = tpu.memref_squeeze %dma_wait3A_21 : memref<1x128x128xf32, #tpu.memory_space<vmem>> -> memref<128x128xf32, #tpu.memory_space<vmem>>
    tpu.wait_dma2 semaphore(%arg7 : memref<!tpu.dma_semaphore, #tpu.memory_space<semaphore_mem>>) src(%dma_wait3A_22 : memref<128x128xf32, #tpu.memory_space<vmem>>) dst(%dma_wait3A_18 : memref<128x128xf32, #tpu.memory_space<hbm>>)
    %dma_wait3A_23 = arith.constant 1 : i32
    %dma_wait3A_24 = arith.constant 0 : i32
    %dma_wait3A_25 = arith.constant 0 : i32
    %dma_wait3A_26 = arith.constant 0 : i32
    %dma_wait3A_27 = tpu.memref_slice %arg6[%dma_wait3A_23, %dma_wait3A_25, %dma_wait3A_26] : memref<5x128x128xf32, #tpu.memory_space<vmem>> -> memref<1x128x128xf32, #tpu.memory_space<vmem>>
    %dma_wait3A_28 = tpu.memref_squeeze %dma_wait3A_27 : memref<1x128x128xf32, #tpu.memory_space<vmem>> -> memref<128x128xf32, #tpu.memory_space<vmem>>
    %dma_wait3A_29 = arith.constant 0 : i32
    %dma_wait3A_30 = tpu.memref_slice %arg4[%dma_wait3A_24, %multiple_of3A, %dma_wait3A_29] : memref<50x4096x128xf32, #tpu.memory_space<hbm>> -> memref<1x128x128xf32, #tpu.memory_space<hbm>>
    %dma_wait3A_31 = tpu.memref_squeeze %dma_wait3A_30 : memref<1x128x128xf32, #tpu.memory_space<hbm>> -> memref<128x128xf32, #tpu.memory_space<hbm>>
    %dma_wait3A_32 = arith.constant 0 : i32
    %dma_wait3A_33 = tpu.memref_slice %arg4[%dma_wait3A_24, %multiple_of3A, %dma_wait3A_32] : memref<50x4096x128xf32, #tpu.memory_space<hbm>> -> memref<1x128x128xf32, #tpu.memory_space<hbm>>
    %dma_wait3A_34 = tpu.memref_squeeze %dma_wait3A_33 : memref<1x128x128xf32, #tpu.memory_space<hbm>> -> memref<128x128xf32, #tpu.memory_space<hbm>>
    %dma_wait3A_35 = arith.constant 0 : i32
    %dma_wait3A_36 = arith.constant 0 : i32
    %dma_wait3A_37 = tpu.memref_slice %arg6[%dma_wait3A_23, %dma_wait3A_35, %dma_wait3A_36] : memref<5x128x128xf32, #tpu.memory_space<vmem>> -> memref<1x128x128xf32, #tpu.memory_space<vmem>>
    %dma_wait3A_38 = tpu.memref_squeeze %dma_wait3A_37 : memref<1x128x128xf32, #tpu.memory_space<vmem>> -> memref<128x128xf32, #tpu.memory_space<vmem>>
    tpu.wait_dma2 semaphore(%arg8 : memref<!tpu.dma_semaphore, #tpu.memory_space<semaphore_mem>>) src(%dma_wait3A_38 : memref<128x128xf32, #tpu.memory_space<vmem>>) dst(%dma_wait3A_34 : memref<128x128xf32, #tpu.memory_space<hbm>>)
    %dma_wait3A_39 = arith.constant 2 : i32
    %dma_wait3A_40 = arith.constant 0 : i32
    %dma_wait3A_41 = arith.constant 0 : i32
    %dma_wait3A_42 = arith.constant 0 : i32
    %dma_wait3A_43 = tpu.memref_slice %arg6[%dma_wait3A_39, %dma_wait3A_41, %dma_wait3A_42] : memref<5x128x128xf32, #tpu.memory_space<vmem>> -> memref<1x128x128xf32, #tpu.memory_space<vmem>>
    %dma_wait3A_44 = tpu.memref_squeeze %dma_wait3A_43 : memref<1x128x128xf32, #tpu.memory_space<vmem>> -> memref<128x128xf32, #tpu.memory_space<vmem>>
    %dma_wait3A_45 = arith.constant 0 : i32
    %dma_wait3A_46 = tpu.memref_slice %arg4[%dma_wait3A_40, %multiple_of3A, %dma_wait3A_45] : memref<50x4096x128xf32, #tpu.memory_space<hbm>> -> memref<1x128x128xf32, #tpu.memory_space<hbm>>
    %dma_wait3A_47 = tpu.memref_squeeze %dma_wait3A_46 : memref<1x128x128xf32, #tpu.memory_space<hbm>> -> memref<128x128xf32, #tpu.memory_space<hbm>>
    %dma_wait3A_48 = arith.constant 0 : i32
    %dma_wait3A_49 = tpu.memref_slice %arg4[%dma_wait3A_40, %multiple_of3A, %dma_wait3A_48] : memref<50x4096x128xf32, #tpu.memory_space<hbm>> -> memref<1x128x128xf32, #tpu.memory_space<hbm>>
    %dma_wait3A_50 = tpu.memref_squeeze %dma_wait3A_49 : memref<1x128x128xf32, #tpu.memory_space<hbm>> -> memref<128x128xf32, #tpu.memory_space<hbm>>
    %dma_wait3A_51 = arith.constant 0 : i32
    %dma_wait3A_52 = arith.constant 0 : i32
    %dma_wait3A_53 = tpu.memref_slice %arg6[%dma_wait3A_39, %dma_wait3A_51, %dma_wait3A_52] : memref<5x128x128xf32, #tpu.memory_space<vmem>> -> memref<1x128x128xf32, #tpu.memory_space<vmem>>
    %dma_wait3A_54 = tpu.memref_squeeze %dma_wait3A_53 : memref<1x128x128xf32, #tpu.memory_space<vmem>> -> memref<128x128xf32, #tpu.memory_space<vmem>>
    tpu.wait_dma2 semaphore(%arg9 : memref<!tpu.dma_semaphore, #tpu.memory_space<semaphore_mem>>) src(%dma_wait3A_54 : memref<128x128xf32, #tpu.memory_space<vmem>>) dst(%dma_wait3A_50 : memref<128x128xf32, #tpu.memory_space<hbm>>)
    %dma_wait3A_55 = arith.constant 3 : i32
    %dma_wait3A_56 = arith.constant 0 : i32
    %dma_wait3A_57 = arith.constant 0 : i32
    %dma_wait3A_58 = arith.constant 0 : i32
    %dma_wait3A_59 = tpu.memref_slice %arg6[%dma_wait3A_55, %dma_wait3A_57, %dma_wait3A_58] : memref<5x128x128xf32, #tpu.memory_space<vmem>> -> memref<1x128x128xf32, #tpu.memory_space<vmem>>
    %dma_wait3A_60 = tpu.memref_squeeze %dma_wait3A_59 : memref<1x128x128xf32, #tpu.memory_space<vmem>> -> memref<128x128xf32, #tpu.memory_space<vmem>>
    %dma_wait3A_61 = arith.constant 0 : i32
    %dma_wait3A_62 = tpu.memref_slice %arg4[%dma_wait3A_56, %multiple_of3A, %dma_wait3A_61] : memref<50x4096x128xf32, #tpu.memory_space<hbm>> -> memref<1x128x128xf32, #tpu.memory_space<hbm>>
    %dma_wait3A_63 = tpu.memref_squeeze %dma_wait3A_62 : memref<1x128x128xf32, #tpu.memory_space<hbm>> -> memref<128x128xf32, #tpu.memory_space<hbm>>
    %dma_wait3A_64 = arith.constant 0 : i32
    %dma_wait3A_65 = tpu.memref_slice %arg4[%dma_wait3A_56, %multiple_of3A, %dma_wait3A_64] : memref<50x4096x128xf32, #tpu.memory_space<hbm>> -> memref<1x128x128xf32, #tpu.memory_space<hbm>>
    %dma_wait3A_66 = tpu.memref_squeeze %dma_wait3A_65 : memref<1x128x128xf32, #tpu.memory_space<hbm>> -> memref<128x128xf32, #tpu.memory_space<hbm>>
    %dma_wait3A_67 = arith.constant 0 : i32
    %dma_wait3A_68 = arith.constant 0 : i32
    %dma_wait3A_69 = tpu.memref_slice %arg6[%dma_wait3A_55, %dma_wait3A_67, %dma_wait3A_68] : memref<5x128x128xf32, #tpu.memory_space<vmem>> -> memref<1x128x128xf32, #tpu.memory_space<vmem>>
    %dma_wait3A_70 = tpu.memref_squeeze %dma_wait3A_69 : memref<1x128x128xf32, #tpu.memory_space<vmem>> -> memref<128x128xf32, #tpu.memory_space<vmem>>
    tpu.wait_dma2 semaphore(%arg10 : memref<!tpu.dma_semaphore, #tpu.memory_space<semaphore_mem>>) src(%dma_wait3A_70 : memref<128x128xf32, #tpu.memory_space<vmem>>) dst(%dma_wait3A_66 : memref<128x128xf32, #tpu.memory_space<hbm>>)
    %dma_wait3A_71 = arith.constant 4 : i32
    %dma_wait3A_72 = arith.constant 0 : i32
    %dma_wait3A_73 = arith.constant 0 : i32
    %dma_wait3A_74 = arith.constant 0 : i32
    %dma_wait3A_75 = tpu.memref_slice %arg6[%dma_wait3A_71, %dma_wait3A_73, %dma_wait3A_74] : memref<5x128x128xf32, #tpu.memory_space<vmem>> -> memref<1x128x128xf32, #tpu.memory_space<vmem>>
    %dma_wait3A_76 = tpu.memref_squeeze %dma_wait3A_75 : memref<1x128x128xf32, #tpu.memory_space<vmem>> -> memref<128x128xf32, #tpu.memory_space<vmem>>
    %dma_wait3A_77 = arith.constant 0 : i32
    %dma_wait3A_78 = tpu.memref_slice %arg4[%dma_wait3A_72, %multiple_of3A, %dma_wait3A_77] : memref<50x4096x128xf32, #tpu.memory_space<hbm>> -> memref<1x128x128xf32, #tpu.memory_space<hbm>>
    %dma_wait3A_79 = tpu.memref_squeeze %dma_wait3A_78 : memref<1x128x128xf32, #tpu.memory_space<hbm>> -> memref<128x128xf32, #tpu.memory_space<hbm>>
    %dma_wait3A_80 = arith.constant 0 : i32
    %dma_wait3A_81 = tpu.memref_slice %arg4[%dma_wait3A_72, %multiple_of3A, %dma_wait3A_80] : memref<50x4096x128xf32, #tpu.memory_space<hbm>> -> memref<1x128x128xf32, #tpu.memory_space<hbm>>
    %dma_wait3A_82 = tpu.memref_squeeze %dma_wait3A_81 : memref<1x128x128xf32, #tpu.memory_space<hbm>> -> memref<128x128xf32, #tpu.memory_space<hbm>>
    %dma_wait3A_83 = arith.constant 0 : i32
    %dma_wait3A_84 = arith.constant 0 : i32
    %dma_wait3A_85 = tpu.memref_slice %arg6[%dma_wait3A_71, %dma_wait3A_83, %dma_wait3A_84] : memref<5x128x128xf32, #tpu.memory_space<vmem>> -> memref<1x128x128xf32, #tpu.memory_space<vmem>>
    %dma_wait3A_86 = tpu.memref_squeeze %dma_wait3A_85 : memref<1x128x128xf32, #tpu.memory_space<vmem>> -> memref<128x128xf32, #tpu.memory_space<vmem>>
    tpu.wait_dma2 semaphore(%arg11 : memref<!tpu.dma_semaphore, #tpu.memory_space<semaphore_mem>>) src(%dma_wait3A_86 : memref<128x128xf32, #tpu.memory_space<vmem>>) dst(%dma_wait3A_82 : memref<128x128xf32, #tpu.memory_space<hbm>>)
    return
  }
}

module attributes {stable_mosaic.version = 14 : i64} {
  func.func @_proj_body(%arg0: memref<300x100000xf32, #tpu.memory_space<any>>, %arg1: memref<300x1696xf32, #tpu.memory_space<vmem>>, %arg2: memref<300x128xf32, #tpu.memory_space<vmem>>, %arg3: memref<1x128xf32, #tpu.memory_space<vmem>>, %arg4: memref<100000x128xf32, #tpu.memory_space<any>>, %arg5: memref<6x300x2048xf32, #tpu.memory_space<vmem>>, %arg6: memref<6x2048x128xf32, #tpu.memory_space<vmem>>, %arg7: memref<!tpu.dma_semaphore, #tpu.memory_space<semaphore_mem>>, %arg8: memref<!tpu.dma_semaphore, #tpu.memory_space<semaphore_mem>>, %arg9: memref<!tpu.dma_semaphore, #tpu.memory_space<semaphore_mem>>, %arg10: memref<!tpu.dma_semaphore, #tpu.memory_space<semaphore_mem>>, %arg11: memref<!tpu.dma_semaphore, #tpu.memory_space<semaphore_mem>>, %arg12: memref<!tpu.dma_semaphore, #tpu.memory_space<semaphore_mem>>, %arg13: memref<!tpu.dma_semaphore, #tpu.memory_space<semaphore_mem>>, %arg14: memref<!tpu.dma_semaphore, #tpu.memory_space<semaphore_mem>>, %arg15: memref<!tpu.dma_semaphore, #tpu.memory_space<semaphore_mem>>, %arg16: memref<!tpu.dma_semaphore, #tpu.memory_space<semaphore_mem>>, %arg17: memref<!tpu.dma_semaphore, #tpu.memory_space<semaphore_mem>>, %arg18: memref<!tpu.dma_semaphore, #tpu.memory_space<semaphore_mem>>) attributes {dimension_semantics = [], scalar_prefetch = 0 : i64, scratch_operands = 14 : i64, tpu.core_type = #tpu.core_type<tc>} {
    %get3A = arith.constant 0 : index
    %get3A_0 = arith.constant 0 : index
    %get3A_1 = vector.load %arg2[%get3A, %get3A_0] : memref<300x128xf32, #tpu.memory_space<vmem>>, vector<300x128xf32>
    %get3A_2 = arith.constant 0 : index
    %get3A_3 = arith.constant 0 : index
    %get3A_4 = vector.load %arg3[%get3A_2, %get3A_3] : memref<1x128xf32, #tpu.memory_space<vmem>>, vector<1x128xf32>
    %dma_start3A = arith.constant 0 : i32
    %dma_start3A_5 = arith.constant 0 : i32
    %dma_start3A_6 = arith.constant 0 : i32
    %dma_start3A_7 = tpu.memref_slice %arg5[%dma_start3A, %dma_start3A_5, %dma_start3A_6] : memref<6x300x2048xf32, #tpu.memory_space<vmem>> -> memref<1x300x2048xf32, #tpu.memory_space<vmem>>
    %dma_start3A_8 = tpu.memref_squeeze %dma_start3A_7 : memref<1x300x2048xf32, #tpu.memory_space<vmem>> -> memref<300x2048xf32, #tpu.memory_space<vmem>>
    %dma_start3A_9 = arith.constant 0 : i32
    %dma_start3A_10 = arith.constant 0 : i32
    %dma_start3A_11 = tpu.memref_slice %arg0[%dma_start3A_9, %dma_start3A_10] : memref<300x100000xf32, #tpu.memory_space<any>> -> memref<300x2048xf32, #tpu.memory_space<any>>
    tpu.enqueue_dma source(%dma_start3A_11 : memref<300x2048xf32, #tpu.memory_space<any>>) target(%dma_start3A_8 : memref<300x2048xf32, #tpu.memory_space<vmem>>) target_semaphore(%arg7 : memref<!tpu.dma_semaphore, #tpu.memory_space<semaphore_mem>>)
    %dma_start3A_12 = arith.constant 1 : i32
    %dma_start3A_13 = arith.constant 0 : i32
    %dma_start3A_14 = arith.constant 0 : i32
    %dma_start3A_15 = tpu.memref_slice %arg5[%dma_start3A_12, %dma_start3A_13, %dma_start3A_14] : memref<6x300x2048xf32, #tpu.memory_space<vmem>> -> memref<1x300x2048xf32, #tpu.memory_space<vmem>>
    %dma_start3A_16 = tpu.memref_squeeze %dma_start3A_15 : memref<1x300x2048xf32, #tpu.memory_space<vmem>> -> memref<300x2048xf32, #tpu.memory_space<vmem>>
    %dma_start3A_17 = arith.constant 0 : i32
    %dma_start3A_18 = arith.constant 2048 : i32
    %dma_start3A_19 = tpu.memref_slice %arg0[%dma_start3A_17, %dma_start3A_18] : memref<300x100000xf32, #tpu.memory_space<any>> -> memref<300x2048xf32, #tpu.memory_space<any>>
    tpu.enqueue_dma source(%dma_start3A_19 : memref<300x2048xf32, #tpu.memory_space<any>>) target(%dma_start3A_16 : memref<300x2048xf32, #tpu.memory_space<vmem>>) target_semaphore(%arg8 : memref<!tpu.dma_semaphore, #tpu.memory_space<semaphore_mem>>)
    %dma_start3A_20 = arith.constant 2 : i32
    %dma_start3A_21 = arith.constant 0 : i32
    %dma_start3A_22 = arith.constant 0 : i32
    %dma_start3A_23 = tpu.memref_slice %arg5[%dma_start3A_20, %dma_start3A_21, %dma_start3A_22] : memref<6x300x2048xf32, #tpu.memory_space<vmem>> -> memref<1x300x2048xf32, #tpu.memory_space<vmem>>
    %dma_start3A_24 = tpu.memref_squeeze %dma_start3A_23 : memref<1x300x2048xf32, #tpu.memory_space<vmem>> -> memref<300x2048xf32, #tpu.memory_space<vmem>>
    %dma_start3A_25 = arith.constant 0 : i32
    %dma_start3A_26 = arith.constant 4096 : i32
    %dma_start3A_27 = tpu.memref_slice %arg0[%dma_start3A_25, %dma_start3A_26] : memref<300x100000xf32, #tpu.memory_space<any>> -> memref<300x2048xf32, #tpu.memory_space<any>>
    tpu.enqueue_dma source(%dma_start3A_27 : memref<300x2048xf32, #tpu.memory_space<any>>) target(%dma_start3A_24 : memref<300x2048xf32, #tpu.memory_space<vmem>>) target_semaphore(%arg9 : memref<!tpu.dma_semaphore, #tpu.memory_space<semaphore_mem>>)
    %dma_start3A_28 = arith.constant 3 : i32
    %dma_start3A_29 = arith.constant 0 : i32
    %dma_start3A_30 = arith.constant 0 : i32
    %dma_start3A_31 = tpu.memref_slice %arg5[%dma_start3A_28, %dma_start3A_29, %dma_start3A_30] : memref<6x300x2048xf32, #tpu.memory_space<vmem>> -> memref<1x300x2048xf32, #tpu.memory_space<vmem>>
    %dma_start3A_32 = tpu.memref_squeeze %dma_start3A_31 : memref<1x300x2048xf32, #tpu.memory_space<vmem>> -> memref<300x2048xf32, #tpu.memory_space<vmem>>
    %dma_start3A_33 = arith.constant 0 : i32
    %dma_start3A_34 = arith.constant 6144 : i32
    %dma_start3A_35 = tpu.memref_slice %arg0[%dma_start3A_33, %dma_start3A_34] : memref<300x100000xf32, #tpu.memory_space<any>> -> memref<300x2048xf32, #tpu.memory_space<any>>
    tpu.enqueue_dma source(%dma_start3A_35 : memref<300x2048xf32, #tpu.memory_space<any>>) target(%dma_start3A_32 : memref<300x2048xf32, #tpu.memory_space<vmem>>) target_semaphore(%arg10 : memref<!tpu.dma_semaphore, #tpu.memory_space<semaphore_mem>>)
    %dma_start3A_36 = arith.constant 4 : i32
    %dma_start3A_37 = arith.constant 0 : i32
    %dma_start3A_38 = arith.constant 0 : i32
    %dma_start3A_39 = tpu.memref_slice %arg5[%dma_start3A_36, %dma_start3A_37, %dma_start3A_38] : memref<6x300x2048xf32, #tpu.memory_space<vmem>> -> memref<1x300x2048xf32, #tpu.memory_space<vmem>>
    %dma_start3A_40 = tpu.memref_squeeze %dma_start3A_39 : memref<1x300x2048xf32, #tpu.memory_space<vmem>> -> memref<300x2048xf32, #tpu.memory_space<vmem>>
    %dma_start3A_41 = arith.constant 0 : i32
    %dma_start3A_42 = arith.constant 8192 : i32
    %dma_start3A_43 = tpu.memref_slice %arg0[%dma_start3A_41, %dma_start3A_42] : memref<300x100000xf32, #tpu.memory_space<any>> -> memref<300x2048xf32, #tpu.memory_space<any>>
    tpu.enqueue_dma source(%dma_start3A_43 : memref<300x2048xf32, #tpu.memory_space<any>>) target(%dma_start3A_40 : memref<300x2048xf32, #tpu.memory_space<vmem>>) target_semaphore(%arg11 : memref<!tpu.dma_semaphore, #tpu.memory_space<semaphore_mem>>)
    %dma_start3A_44 = arith.constant 5 : i32
    %dma_start3A_45 = arith.constant 0 : i32
    %dma_start3A_46 = arith.constant 0 : i32
    %dma_start3A_47 = tpu.memref_slice %arg5[%dma_start3A_44, %dma_start3A_45, %dma_start3A_46] : memref<6x300x2048xf32, #tpu.memory_space<vmem>> -> memref<1x300x2048xf32, #tpu.memory_space<vmem>>
    %dma_start3A_48 = tpu.memref_squeeze %dma_start3A_47 : memref<1x300x2048xf32, #tpu.memory_space<vmem>> -> memref<300x2048xf32, #tpu.memory_space<vmem>>
    %dma_start3A_49 = arith.constant 0 : i32
    %dma_start3A_50 = arith.constant 10240 : i32
    %dma_start3A_51 = tpu.memref_slice %arg0[%dma_start3A_49, %dma_start3A_50] : memref<300x100000xf32, #tpu.memory_space<any>> -> memref<300x2048xf32, #tpu.memory_space<any>>
    tpu.enqueue_dma source(%dma_start3A_51 : memref<300x2048xf32, #tpu.memory_space<any>>) target(%dma_start3A_48 : memref<300x2048xf32, #tpu.memory_space<vmem>>) target_semaphore(%arg12 : memref<!tpu.dma_semaphore, #tpu.memory_space<semaphore_mem>>)
    %scan3A = arith.constant 0 : i32
    %scan3A_52 = arith.constant 8 : i32
    %scan3A_53 = arith.addi %scan3A, %scan3A_52 : i32
    %scan3A_54 = arith.constant 1 : i32
    scf.for %scan3A_129 = %scan3A to %scan3A_53 step %scan3A_54  : i32 {
      %mul3A = arith.constant 6 : i32
      %mul3A_130 = arith.muli %scan3A_129, %mul3A : i32
      %add3A_131 = arith.constant 0 : i32
      %add3A_132 = arith.addi %mul3A_130, %add3A_131 : i32
      %ge3A = arith.constant 1 : i32
      %ge3A_133 = arith.cmpi sge, %scan3A_129, %ge3A : i32
      %convert_element_type3A = arith.extui %ge3A_133 : i1 to i32
      %cond3A = arith.constant 0 : i32
      %cond3A_134 = arith.cmpi ne, %convert_element_type3A, %cond3A : i32
      scf.if %cond3A_134 {
        %dma_wait3A_419 = arith.constant 0 : i32
        %dma_wait3A_420 = arith.constant 0 : i32
        %dma_wait3A_421 = arith.constant 0 : i32
        %dma_wait3A_422 = tpu.memref_slice %arg4[%dma_wait3A_420, %dma_wait3A_421] : memref<100000x128xf32, #tpu.memory_space<any>> -> memref<2048x128xf32, #tpu.memory_space<any>>
        %dma_wait3A_423 = arith.constant 0 : i32
        %dma_wait3A_424 = arith.constant 0 : i32
        %dma_wait3A_425 = tpu.memref_slice %arg6[%dma_wait3A_419, %dma_wait3A_423, %dma_wait3A_424] : memref<6x2048x128xf32, #tpu.memory_space<vmem>> -> memref<1x2048x128xf32, #tpu.memory_space<vmem>>
        %dma_wait3A_426 = tpu.memref_squeeze %dma_wait3A_425 : memref<1x2048x128xf32, #tpu.memory_space<vmem>> -> memref<2048x128xf32, #tpu.memory_space<vmem>>
        tpu.wait_dma2 semaphore(%arg13 : memref<!tpu.dma_semaphore, #tpu.memory_space<semaphore_mem>>) src(%dma_wait3A_426 : memref<2048x128xf32, #tpu.memory_space<vmem>>) dst(%dma_wait3A_422 : memref<2048x128xf32, #tpu.memory_space<any>>)
      } else {
      }
      %mul3A_135 = arith.constant 2048 : i32
      %mul3A_136 = arith.muli %add3A_132, %mul3A_135 : i32
      %dma_wait3A_137 = arith.constant 0 : i32
      %dma_wait3A_138 = arith.constant 0 : i32
      %dma_wait3A_139 = arith.constant 0 : i32
      %dma_wait3A_140 = tpu.memref_slice %arg5[%dma_wait3A_137, %dma_wait3A_138, %dma_wait3A_139] : memref<6x300x2048xf32, #tpu.memory_space<vmem>> -> memref<1x300x2048xf32, #tpu.memory_space<vmem>>
      %dma_wait3A_141 = tpu.memref_squeeze %dma_wait3A_140 : memref<1x300x2048xf32, #tpu.memory_space<vmem>> -> memref<300x2048xf32, #tpu.memory_space<vmem>>
      %dma_wait3A_142 = arith.constant 0 : i32
      %dma_wait3A_143 = tpu.memref_slice %arg0[%dma_wait3A_142, %mul3A_136] : memref<300x100000xf32, #tpu.memory_space<any>> -> memref<300x2048xf32, #tpu.memory_space<any>>
      tpu.wait_dma2 semaphore(%arg7 : memref<!tpu.dma_semaphore, #tpu.memory_space<semaphore_mem>>) src(%dma_wait3A_143 : memref<300x2048xf32, #tpu.memory_space<any>>) dst(%dma_wait3A_141 : memref<300x2048xf32, #tpu.memory_space<vmem>>)
      %get3A_144 = arith.constant 0 : index
      %get3A_145 = arith.constant 0 : index
      %get3A_146 = arith.constant 0 : index
      %get3A_147 = vector.load %arg5[%get3A_144, %get3A_145, %get3A_146] : memref<6x300x2048xf32, #tpu.memory_space<vmem>>, vector<1x300x2048xf32>
      %get3A_148 = vector.shape_cast %get3A_147 : vector<1x300x2048xf32> to vector<300x2048xf32>
      %dot_general3A_149 = arith.constant dense<0.000000e+00> : vector<2048x128xf32>
      %dot_general3A_150 = tpu.matmul %get3A_148, %get3A_1, %dot_general3A_149 {dimension_numbers = #tpu.dot_dimension_numbers<[0], [0], [1], [1], [0, 1, 1, 1], [], []>, transpose_lhs_hint = false} : vector<300x2048xf32>, vector<300x128xf32>, vector<2048x128xf32> -> vector<2048x128xf32>
      %add3A_151 = vector.broadcast %get3A_4 : vector<1x128xf32> to vector<2048x128xf32>
      %add3A_152 = arith.addf %dot_general3A_150, %add3A_151 : vector<2048x128xf32>
      %swap3A_153 = arith.constant 0 : index
      %swap3A_154 = arith.constant 0 : index
      %swap3A_155 = arith.constant 0 : index
      %swap3A_156 = vector.load %arg6[%swap3A_153, %swap3A_154, %swap3A_155] : memref<6x2048x128xf32, #tpu.memory_space<vmem>>, vector<1x2048x128xf32>
      %swap3A_157 = vector.shape_cast %swap3A_156 : vector<1x2048x128xf32> to vector<2048x128xf32>
      %swap3A_158 = vector.shape_cast %add3A_152 : vector<2048x128xf32> to vector<1x2048x128xf32>
      tpu.vector_store %arg6[%swap3A_153, %swap3A_154, %swap3A_155], %swap3A_158 {strides = array<i32>} : memref<6x2048x128xf32, #tpu.memory_space<vmem>>, vector<1x2048x128xf32>,
      %mul3A_159 = arith.constant 2048 : i32
      %mul3A_160 = arith.muli %add3A_132, %mul3A_159 : i32
      %dma_start3A_161 = arith.constant 0 : i32
      %dma_start3A_162 = arith.constant 0 : i32
      %dma_start3A_163 = tpu.memref_slice %arg4[%mul3A_160, %dma_start3A_162] : memref<100000x128xf32, #tpu.memory_space<any>> -> memref<2048x128xf32, #tpu.memory_space<any>>
      %dma_start3A_164 = arith.constant 0 : i32
      %dma_start3A_165 = arith.constant 0 : i32
      %dma_start3A_166 = tpu.memref_slice %arg6[%dma_start3A_161, %dma_start3A_164, %dma_start3A_165] : memref<6x2048x128xf32, #tpu.memory_space<vmem>> -> memref<1x2048x128xf32, #tpu.memory_space<vmem>>
      %dma_start3A_167 = tpu.memref_squeeze %dma_start3A_166 : memref<1x2048x128xf32, #tpu.memory_space<vmem>> -> memref<2048x128xf32, #tpu.memory_space<vmem>>
      tpu.enqueue_dma source(%dma_start3A_167 : memref<2048x128xf32, #tpu.memory_space<vmem>>) target(%dma_start3A_163 : memref<2048x128xf32, #tpu.memory_space<any>>) target_semaphore(%arg13 : memref<!tpu.dma_semaphore, #tpu.memory_space<semaphore_mem>>)
      %add3A_168 = arith.constant 6 : i32
      %add3A_169 = arith.addi %add3A_132, %add3A_168 : i32
      %lt3A = arith.constant 48 : i32
      %lt3A_170 = arith.cmpi slt, %add3A_169, %lt3A : i32
      %convert_element_type3A_171 = arith.extui %lt3A_170 : i1 to i32
      %cond3A_172 = arith.constant 0 : i32
      %cond3A_173 = arith.cmpi ne, %convert_element_type3A_171, %cond3A_172 : i32
      scf.if %cond3A_173 {
        %mul3A_419 = arith.constant 2048 : i32
        %mul3A_420 = arith.muli %add3A_169, %mul3A_419 : i32
        %dma_start3A_421 = arith.constant 0 : i32
        %dma_start3A_422 = arith.constant 0 : i32
        %dma_start3A_423 = arith.constant 0 : i32
        %dma_start3A_424 = tpu.memref_slice %arg5[%dma_start3A_421, %dma_start3A_422, %dma_start3A_423] : memref<6x300x2048xf32, #tpu.memory_space<vmem>> -> memref<1x300x2048xf32, #tpu.memory_space<vmem>>
        %dma_start3A_425 = tpu.memref_squeeze %dma_start3A_424 : memref<1x300x2048xf32, #tpu.memory_space<vmem>> -> memref<300x2048xf32, #tpu.memory_space<vmem>>
        %dma_start3A_426 = arith.constant 0 : i32
        %dma_start3A_427 = tpu.memref_slice %arg0[%dma_start3A_426, %mul3A_420] : memref<300x100000xf32, #tpu.memory_space<any>> -> memref<300x2048xf32, #tpu.memory_space<any>>
        tpu.enqueue_dma source(%dma_start3A_427 : memref<300x2048xf32, #tpu.memory_space<any>>) target(%dma_start3A_425 : memref<300x2048xf32, #tpu.memory_space<vmem>>) target_semaphore(%arg7 : memref<!tpu.dma_semaphore, #tpu.memory_space<semaphore_mem>>)
      } else {
      }
      %mul3A_174 = arith.constant 6 : i32
      %mul3A_175 = arith.muli %scan3A_129, %mul3A_174 : i32
      %add3A_176 = arith.constant 1 : i32
      %add3A_177 = arith.addi %mul3A_175, %add3A_176 : i32
      %ge3A_178 = arith.constant 1 : i32
      %ge3A_179 = arith.cmpi sge, %scan3A_129, %ge3A_178 : i32
      %convert_element_type3A_180 = arith.extui %ge3A_179 : i1 to i32
      %cond3A_181 = arith.constant 0 : i32
      %cond3A_182 = arith.cmpi ne, %convert_element_type3A_180, %cond3A_181 : i32
      scf.if %cond3A_182 {
        %dma_wait3A_419 = arith.constant 1 : i32
        %dma_wait3A_420 = arith.constant 0 : i32
        %dma_wait3A_421 = arith.constant 0 : i32
        %dma_wait3A_422 = tpu.memref_slice %arg4[%dma_wait3A_420, %dma_wait3A_421] : memref<100000x128xf32, #tpu.memory_space<any>> -> memref<2048x128xf32, #tpu.memory_space<any>>
        %dma_wait3A_423 = arith.constant 0 : i32
        %dma_wait3A_424 = arith.constant 0 : i32
        %dma_wait3A_425 = tpu.memref_slice %arg6[%dma_wait3A_419, %dma_wait3A_423, %dma_wait3A_424] : memref<6x2048x128xf32, #tpu.memory_space<vmem>> -> memref<1x2048x128xf32, #tpu.memory_space<vmem>>
        %dma_wait3A_426 = tpu.memref_squeeze %dma_wait3A_425 : memref<1x2048x128xf32, #tpu.memory_space<vmem>> -> memref<2048x128xf32, #tpu.memory_space<vmem>>
        tpu.wait_dma2 semaphore(%arg14 : memref<!tpu.dma_semaphore, #tpu.memory_space<semaphore_mem>>) src(%dma_wait3A_426 : memref<2048x128xf32, #tpu.memory_space<vmem>>) dst(%dma_wait3A_422 : memref<2048x128xf32, #tpu.memory_space<any>>)
      } else {
      }
      %mul3A_183 = arith.constant 2048 : i32
      %mul3A_184 = arith.muli %add3A_177, %mul3A_183 : i32
      %dma_wait3A_185 = arith.constant 1 : i32
      %dma_wait3A_186 = arith.constant 0 : i32
      %dma_wait3A_187 = arith.constant 0 : i32
      %dma_wait3A_188 = tpu.memref_slice %arg5[%dma_wait3A_185, %dma_wait3A_186, %dma_wait3A_187] : memref<6x300x2048xf32, #tpu.memory_space<vmem>> -> memref<1x300x2048xf32, #tpu.memory_space<vmem>>
      %dma_wait3A_189 = tpu.memref_squeeze %dma_wait3A_188 : memref<1x300x2048xf32, #tpu.memory_space<vmem>> -> memref<300x2048xf32, #tpu.memory_space<vmem>>
      %dma_wait3A_190 = arith.constant 0 : i32
      %dma_wait3A_191 = tpu.memref_slice %arg0[%dma_wait3A_190, %mul3A_184] : memref<300x100000xf32, #tpu.memory_space<any>> -> memref<300x2048xf32, #tpu.memory_space<any>>
      tpu.wait_dma2 semaphore(%arg8 : memref<!tpu.dma_semaphore, #tpu.memory_space<semaphore_mem>>) src(%dma_wait3A_191 : memref<300x2048xf32, #tpu.memory_space<any>>) dst(%dma_wait3A_189 : memref<300x2048xf32, #tpu.memory_space<vmem>>)
      %get3A_192 = arith.constant 1 : index
      %get3A_193 = arith.constant 0 : index
      %get3A_194 = arith.constant 0 : index
      %get3A_195 = vector.load %arg5[%get3A_192, %get3A_193, %get3A_194] : memref<6x300x2048xf32, #tpu.memory_space<vmem>>, vector<1x300x2048xf32>
      %get3A_196 = vector.shape_cast %get3A_195 : vector<1x300x2048xf32> to vector<300x2048xf32>
      %dot_general3A_197 = arith.constant dense<0.000000e+00> : vector<2048x128xf32>
      %dot_general3A_198 = tpu.matmul %get3A_196, %get3A_1, %dot_general3A_197 {dimension_numbers = #tpu.dot_dimension_numbers<[0], [0], [1], [1], [0, 1, 1, 1], [], []>, transpose_lhs_hint = false} : vector<300x2048xf32>, vector<300x128xf32>, vector<2048x128xf32> -> vector<2048x128xf32>
      %add3A_199 = vector.broadcast %get3A_4 : vector<1x128xf32> to vector<2048x128xf32>
      %add3A_200 = arith.addf %dot_general3A_198, %add3A_199 : vector<2048x128xf32>
      %swap3A_201 = arith.constant 1 : index
      %swap3A_202 = arith.constant 0 : index
      %swap3A_203 = arith.constant 0 : index
      %swap3A_204 = vector.load %arg6[%swap3A_201, %swap3A_202, %swap3A_203] : memref<6x2048x128xf32, #tpu.memory_space<vmem>>, vector<1x2048x128xf32>
      %swap3A_205 = vector.shape_cast %swap3A_204 : vector<1x2048x128xf32> to vector<2048x128xf32>
      %swap3A_206 = vector.shape_cast %add3A_200 : vector<2048x128xf32> to vector<1x2048x128xf32>
      tpu.vector_store %arg6[%swap3A_201, %swap3A_202, %swap3A_203], %swap3A_206 {strides = array<i32>} : memref<6x2048x128xf32, #tpu.memory_space<vmem>>, vector<1x2048x128xf32>,
      %mul3A_207 = arith.constant 2048 : i32
      %mul3A_208 = arith.muli %add3A_177, %mul3A_207 : i32
      %dma_start3A_209 = arith.constant 1 : i32
      %dma_start3A_210 = arith.constant 0 : i32
      %dma_start3A_211 = tpu.memref_slice %arg4[%mul3A_208, %dma_start3A_210] : memref<100000x128xf32, #tpu.memory_space<any>> -> memref<2048x128xf32, #tpu.memory_space<any>>
      %dma_start3A_212 = arith.constant 0 : i32
      %dma_start3A_213 = arith.constant 0 : i32
      %dma_start3A_214 = tpu.memref_slice %arg6[%dma_start3A_209, %dma_start3A_212, %dma_start3A_213] : memref<6x2048x128xf32, #tpu.memory_space<vmem>> -> memref<1x2048x128xf32, #tpu.memory_space<vmem>>
      %dma_start3A_215 = tpu.memref_squeeze %dma_start3A_214 : memref<1x2048x128xf32, #tpu.memory_space<vmem>> -> memref<2048x128xf32, #tpu.memory_space<vmem>>
      tpu.enqueue_dma source(%dma_start3A_215 : memref<2048x128xf32, #tpu.memory_space<vmem>>) target(%dma_start3A_211 : memref<2048x128xf32, #tpu.memory_space<any>>) target_semaphore(%arg14 : memref<!tpu.dma_semaphore, #tpu.memory_space<semaphore_mem>>)
      %add3A_216 = arith.constant 6 : i32
      %add3A_217 = arith.addi %add3A_177, %add3A_216 : i32
      %lt3A_218 = arith.constant 48 : i32
      %lt3A_219 = arith.cmpi slt, %add3A_217, %lt3A_218 : i32
      %convert_element_type3A_220 = arith.extui %lt3A_219 : i1 to i32
      %cond3A_221 = arith.constant 0 : i32
      %cond3A_222 = arith.cmpi ne, %convert_element_type3A_220, %cond3A_221 : i32
      scf.if %cond3A_222 {
        %mul3A_419 = arith.constant 2048 : i32
        %mul3A_420 = arith.muli %add3A_217, %mul3A_419 : i32
        %dma_start3A_421 = arith.constant 1 : i32
        %dma_start3A_422 = arith.constant 0 : i32
        %dma_start3A_423 = arith.constant 0 : i32
        %dma_start3A_424 = tpu.memref_slice %arg5[%dma_start3A_421, %dma_start3A_422, %dma_start3A_423] : memref<6x300x2048xf32, #tpu.memory_space<vmem>> -> memref<1x300x2048xf32, #tpu.memory_space<vmem>>
        %dma_start3A_425 = tpu.memref_squeeze %dma_start3A_424 : memref<1x300x2048xf32, #tpu.memory_space<vmem>> -> memref<300x2048xf32, #tpu.memory_space<vmem>>
        %dma_start3A_426 = arith.constant 0 : i32
        %dma_start3A_427 = tpu.memref_slice %arg0[%dma_start3A_426, %mul3A_420] : memref<300x100000xf32, #tpu.memory_space<any>> -> memref<300x2048xf32, #tpu.memory_space<any>>
        tpu.enqueue_dma source(%dma_start3A_427 : memref<300x2048xf32, #tpu.memory_space<any>>) target(%dma_start3A_425 : memref<300x2048xf32, #tpu.memory_space<vmem>>) target_semaphore(%arg8 : memref<!tpu.dma_semaphore, #tpu.memory_space<semaphore_mem>>)
      } else {
      }
      %mul3A_223 = arith.constant 6 : i32
      %mul3A_224 = arith.muli %scan3A_129, %mul3A_223 : i32
      %add3A_225 = arith.constant 2 : i32
      %add3A_226 = arith.addi %mul3A_224, %add3A_225 : i32
      %ge3A_227 = arith.constant 1 : i32
      %ge3A_228 = arith.cmpi sge, %scan3A_129, %ge3A_227 : i32
      %convert_element_type3A_229 = arith.extui %ge3A_228 : i1 to i32
      %cond3A_230 = arith.constant 0 : i32
      %cond3A_231 = arith.cmpi ne, %convert_element_type3A_229, %cond3A_230 : i32
      scf.if %cond3A_231 {
        %dma_wait3A_419 = arith.constant 2 : i32
        %dma_wait3A_420 = arith.constant 0 : i32
        %dma_wait3A_421 = arith.constant 0 : i32
        %dma_wait3A_422 = tpu.memref_slice %arg4[%dma_wait3A_420, %dma_wait3A_421] : memref<100000x128xf32, #tpu.memory_space<any>> -> memref<2048x128xf32, #tpu.memory_space<any>>
        %dma_wait3A_423 = arith.constant 0 : i32
        %dma_wait3A_424 = arith.constant 0 : i32
        %dma_wait3A_425 = tpu.memref_slice %arg6[%dma_wait3A_419, %dma_wait3A_423, %dma_wait3A_424] : memref<6x2048x128xf32, #tpu.memory_space<vmem>> -> memref<1x2048x128xf32, #tpu.memory_space<vmem>>
        %dma_wait3A_426 = tpu.memref_squeeze %dma_wait3A_425 : memref<1x2048x128xf32, #tpu.memory_space<vmem>> -> memref<2048x128xf32, #tpu.memory_space<vmem>>
        tpu.wait_dma2 semaphore(%arg15 : memref<!tpu.dma_semaphore, #tpu.memory_space<semaphore_mem>>) src(%dma_wait3A_426 : memref<2048x128xf32, #tpu.memory_space<vmem>>) dst(%dma_wait3A_422 : memref<2048x128xf32, #tpu.memory_space<any>>)
      } else {
      }
      %mul3A_232 = arith.constant 2048 : i32
      %mul3A_233 = arith.muli %add3A_226, %mul3A_232 : i32
      %dma_wait3A_234 = arith.constant 2 : i32
      %dma_wait3A_235 = arith.constant 0 : i32
      %dma_wait3A_236 = arith.constant 0 : i32
      %dma_wait3A_237 = tpu.memref_slice %arg5[%dma_wait3A_234, %dma_wait3A_235, %dma_wait3A_236] : memref<6x300x2048xf32, #tpu.memory_space<vmem>> -> memref<1x300x2048xf32, #tpu.memory_space<vmem>>
      %dma_wait3A_238 = tpu.memref_squeeze %dma_wait3A_237 : memref<1x300x2048xf32, #tpu.memory_space<vmem>> -> memref<300x2048xf32, #tpu.memory_space<vmem>>
      %dma_wait3A_239 = arith.constant 0 : i32
      %dma_wait3A_240 = tpu.memref_slice %arg0[%dma_wait3A_239, %mul3A_233] : memref<300x100000xf32, #tpu.memory_space<any>> -> memref<300x2048xf32, #tpu.memory_space<any>>
      tpu.wait_dma2 semaphore(%arg9 : memref<!tpu.dma_semaphore, #tpu.memory_space<semaphore_mem>>) src(%dma_wait3A_240 : memref<300x2048xf32, #tpu.memory_space<any>>) dst(%dma_wait3A_238 : memref<300x2048xf32, #tpu.memory_space<vmem>>)
      %get3A_241 = arith.constant 2 : index
      %get3A_242 = arith.constant 0 : index
      %get3A_243 = arith.constant 0 : index
      %get3A_244 = vector.load %arg5[%get3A_241, %get3A_242, %get3A_243] : memref<6x300x2048xf32, #tpu.memory_space<vmem>>, vector<1x300x2048xf32>
      %get3A_245 = vector.shape_cast %get3A_244 : vector<1x300x2048xf32> to vector<300x2048xf32>
      %dot_general3A_246 = arith.constant dense<0.000000e+00> : vector<2048x128xf32>
      %dot_general3A_247 = tpu.matmul %get3A_245, %get3A_1, %dot_general3A_246 {dimension_numbers = #tpu.dot_dimension_numbers<[0], [0], [1], [1], [0, 1, 1, 1], [], []>, transpose_lhs_hint = false} : vector<300x2048xf32>, vector<300x128xf32>, vector<2048x128xf32> -> vector<2048x128xf32>
      %add3A_248 = vector.broadcast %get3A_4 : vector<1x128xf32> to vector<2048x128xf32>
      %add3A_249 = arith.addf %dot_general3A_247, %add3A_248 : vector<2048x128xf32>
      %swap3A_250 = arith.constant 2 : index
      %swap3A_251 = arith.constant 0 : index
      %swap3A_252 = arith.constant 0 : index
      %swap3A_253 = vector.load %arg6[%swap3A_250, %swap3A_251, %swap3A_252] : memref<6x2048x128xf32, #tpu.memory_space<vmem>>, vector<1x2048x128xf32>
      %swap3A_254 = vector.shape_cast %swap3A_253 : vector<1x2048x128xf32> to vector<2048x128xf32>
      %swap3A_255 = vector.shape_cast %add3A_249 : vector<2048x128xf32> to vector<1x2048x128xf32>
      tpu.vector_store %arg6[%swap3A_250, %swap3A_251, %swap3A_252], %swap3A_255 {strides = array<i32>} : memref<6x2048x128xf32, #tpu.memory_space<vmem>>, vector<1x2048x128xf32>,
      %mul3A_256 = arith.constant 2048 : i32
      %mul3A_257 = arith.muli %add3A_226, %mul3A_256 : i32
      %dma_start3A_258 = arith.constant 2 : i32
      %dma_start3A_259 = arith.constant 0 : i32
      %dma_start3A_260 = tpu.memref_slice %arg4[%mul3A_257, %dma_start3A_259] : memref<100000x128xf32, #tpu.memory_space<any>> -> memref<2048x128xf32, #tpu.memory_space<any>>
      %dma_start3A_261 = arith.constant 0 : i32
      %dma_start3A_262 = arith.constant 0 : i32
      %dma_start3A_263 = tpu.memref_slice %arg6[%dma_start3A_258, %dma_start3A_261, %dma_start3A_262] : memref<6x2048x128xf32, #tpu.memory_space<vmem>> -> memref<1x2048x128xf32, #tpu.memory_space<vmem>>
      %dma_start3A_264 = tpu.memref_squeeze %dma_start3A_263 : memref<1x2048x128xf32, #tpu.memory_space<vmem>> -> memref<2048x128xf32, #tpu.memory_space<vmem>>
      tpu.enqueue_dma source(%dma_start3A_264 : memref<2048x128xf32, #tpu.memory_space<vmem>>) target(%dma_start3A_260 : memref<2048x128xf32, #tpu.memory_space<any>>) target_semaphore(%arg15 : memref<!tpu.dma_semaphore, #tpu.memory_space<semaphore_mem>>)
      %add3A_265 = arith.constant 6 : i32
      %add3A_266 = arith.addi %add3A_226, %add3A_265 : i32
      %lt3A_267 = arith.constant 48 : i32
      %lt3A_268 = arith.cmpi slt, %add3A_266, %lt3A_267 : i32
      %convert_element_type3A_269 = arith.extui %lt3A_268 : i1 to i32
      %cond3A_270 = arith.constant 0 : i32
      %cond3A_271 = arith.cmpi ne, %convert_element_type3A_269, %cond3A_270 : i32
      scf.if %cond3A_271 {
        %mul3A_419 = arith.constant 2048 : i32
        %mul3A_420 = arith.muli %add3A_266, %mul3A_419 : i32
        %dma_start3A_421 = arith.constant 2 : i32
        %dma_start3A_422 = arith.constant 0 : i32
        %dma_start3A_423 = arith.constant 0 : i32
        %dma_start3A_424 = tpu.memref_slice %arg5[%dma_start3A_421, %dma_start3A_422, %dma_start3A_423] : memref<6x300x2048xf32, #tpu.memory_space<vmem>> -> memref<1x300x2048xf32, #tpu.memory_space<vmem>>
        %dma_start3A_425 = tpu.memref_squeeze %dma_start3A_424 : memref<1x300x2048xf32, #tpu.memory_space<vmem>> -> memref<300x2048xf32, #tpu.memory_space<vmem>>
        %dma_start3A_426 = arith.constant 0 : i32
        %dma_start3A_427 = tpu.memref_slice %arg0[%dma_start3A_426, %mul3A_420] : memref<300x100000xf32, #tpu.memory_space<any>> -> memref<300x2048xf32, #tpu.memory_space<any>>
        tpu.enqueue_dma source(%dma_start3A_427 : memref<300x2048xf32, #tpu.memory_space<any>>) target(%dma_start3A_425 : memref<300x2048xf32, #tpu.memory_space<vmem>>) target_semaphore(%arg9 : memref<!tpu.dma_semaphore, #tpu.memory_space<semaphore_mem>>)
      } else {
      }
      %mul3A_272 = arith.constant 6 : i32
      %mul3A_273 = arith.muli %scan3A_129, %mul3A_272 : i32
      %add3A_274 = arith.constant 3 : i32
      %add3A_275 = arith.addi %mul3A_273, %add3A_274 : i32
      %ge3A_276 = arith.constant 1 : i32
      %ge3A_277 = arith.cmpi sge, %scan3A_129, %ge3A_276 : i32
      %convert_element_type3A_278 = arith.extui %ge3A_277 : i1 to i32
      %cond3A_279 = arith.constant 0 : i32
      %cond3A_280 = arith.cmpi ne, %convert_element_type3A_278, %cond3A_279 : i32
      scf.if %cond3A_280 {
        %dma_wait3A_419 = arith.constant 3 : i32
        %dma_wait3A_420 = arith.constant 0 : i32
        %dma_wait3A_421 = arith.constant 0 : i32
        %dma_wait3A_422 = tpu.memref_slice %arg4[%dma_wait3A_420, %dma_wait3A_421] : memref<100000x128xf32, #tpu.memory_space<any>> -> memref<2048x128xf32, #tpu.memory_space<any>>
        %dma_wait3A_423 = arith.constant 0 : i32
        %dma_wait3A_424 = arith.constant 0 : i32
        %dma_wait3A_425 = tpu.memref_slice %arg6[%dma_wait3A_419, %dma_wait3A_423, %dma_wait3A_424] : memref<6x2048x128xf32, #tpu.memory_space<vmem>> -> memref<1x2048x128xf32, #tpu.memory_space<vmem>>
        %dma_wait3A_426 = tpu.memref_squeeze %dma_wait3A_425 : memref<1x2048x128xf32, #tpu.memory_space<vmem>> -> memref<2048x128xf32, #tpu.memory_space<vmem>>
        tpu.wait_dma2 semaphore(%arg16 : memref<!tpu.dma_semaphore, #tpu.memory_space<semaphore_mem>>) src(%dma_wait3A_426 : memref<2048x128xf32, #tpu.memory_space<vmem>>) dst(%dma_wait3A_422 : memref<2048x128xf32, #tpu.memory_space<any>>)
      } else {
      }
      %mul3A_281 = arith.constant 2048 : i32
      %mul3A_282 = arith.muli %add3A_275, %mul3A_281 : i32
      %dma_wait3A_283 = arith.constant 3 : i32
      %dma_wait3A_284 = arith.constant 0 : i32
      %dma_wait3A_285 = arith.constant 0 : i32
      %dma_wait3A_286 = tpu.memref_slice %arg5[%dma_wait3A_283, %dma_wait3A_284, %dma_wait3A_285] : memref<6x300x2048xf32, #tpu.memory_space<vmem>> -> memref<1x300x2048xf32, #tpu.memory_space<vmem>>
      %dma_wait3A_287 = tpu.memref_squeeze %dma_wait3A_286 : memref<1x300x2048xf32, #tpu.memory_space<vmem>> -> memref<300x2048xf32, #tpu.memory_space<vmem>>
      %dma_wait3A_288 = arith.constant 0 : i32
      %dma_wait3A_289 = tpu.memref_slice %arg0[%dma_wait3A_288, %mul3A_282] : memref<300x100000xf32, #tpu.memory_space<any>> -> memref<300x2048xf32, #tpu.memory_space<any>>
      tpu.wait_dma2 semaphore(%arg10 : memref<!tpu.dma_semaphore, #tpu.memory_space<semaphore_mem>>) src(%dma_wait3A_289 : memref<300x2048xf32, #tpu.memory_space<any>>) dst(%dma_wait3A_287 : memref<300x2048xf32, #tpu.memory_space<vmem>>)
      %get3A_290 = arith.constant 3 : index
      %get3A_291 = arith.constant 0 : index
      %get3A_292 = arith.constant 0 : index
      %get3A_293 = vector.load %arg5[%get3A_290, %get3A_291, %get3A_292] : memref<6x300x2048xf32, #tpu.memory_space<vmem>>, vector<1x300x2048xf32>
      %get3A_294 = vector.shape_cast %get3A_293 : vector<1x300x2048xf32> to vector<300x2048xf32>
      %dot_general3A_295 = arith.constant dense<0.000000e+00> : vector<2048x128xf32>
      %dot_general3A_296 = tpu.matmul %get3A_294, %get3A_1, %dot_general3A_295 {dimension_numbers = #tpu.dot_dimension_numbers<[0], [0], [1], [1], [0, 1, 1, 1], [], []>, transpose_lhs_hint = false} : vector<300x2048xf32>, vector<300x128xf32>, vector<2048x128xf32> -> vector<2048x128xf32>
      %add3A_297 = vector.broadcast %get3A_4 : vector<1x128xf32> to vector<2048x128xf32>
      %add3A_298 = arith.addf %dot_general3A_296, %add3A_297 : vector<2048x128xf32>
      %swap3A_299 = arith.constant 3 : index
      %swap3A_300 = arith.constant 0 : index
      %swap3A_301 = arith.constant 0 : index
      %swap3A_302 = vector.load %arg6[%swap3A_299, %swap3A_300, %swap3A_301] : memref<6x2048x128xf32, #tpu.memory_space<vmem>>, vector<1x2048x128xf32>
      %swap3A_303 = vector.shape_cast %swap3A_302 : vector<1x2048x128xf32> to vector<2048x128xf32>
      %swap3A_304 = vector.shape_cast %add3A_298 : vector<2048x128xf32> to vector<1x2048x128xf32>
      tpu.vector_store %arg6[%swap3A_299, %swap3A_300, %swap3A_301], %swap3A_304 {strides = array<i32>} : memref<6x2048x128xf32, #tpu.memory_space<vmem>>, vector<1x2048x128xf32>,
      %mul3A_305 = arith.constant 2048 : i32
      %mul3A_306 = arith.muli %add3A_275, %mul3A_305 : i32
      %dma_start3A_307 = arith.constant 3 : i32
      %dma_start3A_308 = arith.constant 0 : i32
      %dma_start3A_309 = tpu.memref_slice %arg4[%mul3A_306, %dma_start3A_308] : memref<100000x128xf32, #tpu.memory_space<any>> -> memref<2048x128xf32, #tpu.memory_space<any>>
      %dma_start3A_310 = arith.constant 0 : i32
      %dma_start3A_311 = arith.constant 0 : i32
      %dma_start3A_312 = tpu.memref_slice %arg6[%dma_start3A_307, %dma_start3A_310, %dma_start3A_311] : memref<6x2048x128xf32, #tpu.memory_space<vmem>> -> memref<1x2048x128xf32, #tpu.memory_space<vmem>>
      %dma_start3A_313 = tpu.memref_squeeze %dma_start3A_312 : memref<1x2048x128xf32, #tpu.memory_space<vmem>> -> memref<2048x128xf32, #tpu.memory_space<vmem>>
      tpu.enqueue_dma source(%dma_start3A_313 : memref<2048x128xf32, #tpu.memory_space<vmem>>) target(%dma_start3A_309 : memref<2048x128xf32, #tpu.memory_space<any>>) target_semaphore(%arg16 : memref<!tpu.dma_semaphore, #tpu.memory_space<semaphore_mem>>)
      %add3A_314 = arith.constant 6 : i32
      %add3A_315 = arith.addi %add3A_275, %add3A_314 : i32
      %lt3A_316 = arith.constant 48 : i32
      %lt3A_317 = arith.cmpi slt, %add3A_315, %lt3A_316 : i32
      %convert_element_type3A_318 = arith.extui %lt3A_317 : i1 to i32
      %cond3A_319 = arith.constant 0 : i32
      %cond3A_320 = arith.cmpi ne, %convert_element_type3A_318, %cond3A_319 : i32
      scf.if %cond3A_320 {
        %mul3A_419 = arith.constant 2048 : i32
        %mul3A_420 = arith.muli %add3A_315, %mul3A_419 : i32
        %dma_start3A_421 = arith.constant 3 : i32
        %dma_start3A_422 = arith.constant 0 : i32
        %dma_start3A_423 = arith.constant 0 : i32
        %dma_start3A_424 = tpu.memref_slice %arg5[%dma_start3A_421, %dma_start3A_422, %dma_start3A_423] : memref<6x300x2048xf32, #tpu.memory_space<vmem>> -> memref<1x300x2048xf32, #tpu.memory_space<vmem>>
        %dma_start3A_425 = tpu.memref_squeeze %dma_start3A_424 : memref<1x300x2048xf32, #tpu.memory_space<vmem>> -> memref<300x2048xf32, #tpu.memory_space<vmem>>
        %dma_start3A_426 = arith.constant 0 : i32
        %dma_start3A_427 = tpu.memref_slice %arg0[%dma_start3A_426, %mul3A_420] : memref<300x100000xf32, #tpu.memory_space<any>> -> memref<300x2048xf32, #tpu.memory_space<any>>
        tpu.enqueue_dma source(%dma_start3A_427 : memref<300x2048xf32, #tpu.memory_space<any>>) target(%dma_start3A_425 : memref<300x2048xf32, #tpu.memory_space<vmem>>) target_semaphore(%arg10 : memref<!tpu.dma_semaphore, #tpu.memory_space<semaphore_mem>>)
      } else {
      }
      %mul3A_321 = arith.constant 6 : i32
      %mul3A_322 = arith.muli %scan3A_129, %mul3A_321 : i32
      %add3A_323 = arith.constant 4 : i32
      %add3A_324 = arith.addi %mul3A_322, %add3A_323 : i32
      %ge3A_325 = arith.constant 1 : i32
      %ge3A_326 = arith.cmpi sge, %scan3A_129, %ge3A_325 : i32
      %convert_element_type3A_327 = arith.extui %ge3A_326 : i1 to i32
      %cond3A_328 = arith.constant 0 : i32
      %cond3A_329 = arith.cmpi ne, %convert_element_type3A_327, %cond3A_328 : i32
      scf.if %cond3A_329 {
        %dma_wait3A_419 = arith.constant 4 : i32
        %dma_wait3A_420 = arith.constant 0 : i32
        %dma_wait3A_421 = arith.constant 0 : i32
        %dma_wait3A_422 = tpu.memref_slice %arg4[%dma_wait3A_420, %dma_wait3A_421] : memref<100000x128xf32, #tpu.memory_space<any>> -> memref<2048x128xf32, #tpu.memory_space<any>>
        %dma_wait3A_423 = arith.constant 0 : i32
        %dma_wait3A_424 = arith.constant 0 : i32
        %dma_wait3A_425 = tpu.memref_slice %arg6[%dma_wait3A_419, %dma_wait3A_423, %dma_wait3A_424] : memref<6x2048x128xf32, #tpu.memory_space<vmem>> -> memref<1x2048x128xf32, #tpu.memory_space<vmem>>
        %dma_wait3A_426 = tpu.memref_squeeze %dma_wait3A_425 : memref<1x2048x128xf32, #tpu.memory_space<vmem>> -> memref<2048x128xf32, #tpu.memory_space<vmem>>
        tpu.wait_dma2 semaphore(%arg17 : memref<!tpu.dma_semaphore, #tpu.memory_space<semaphore_mem>>) src(%dma_wait3A_426 : memref<2048x128xf32, #tpu.memory_space<vmem>>) dst(%dma_wait3A_422 : memref<2048x128xf32, #tpu.memory_space<any>>)
      } else {
      }
      %mul3A_330 = arith.constant 2048 : i32
      %mul3A_331 = arith.muli %add3A_324, %mul3A_330 : i32
      %dma_wait3A_332 = arith.constant 4 : i32
      %dma_wait3A_333 = arith.constant 0 : i32
      %dma_wait3A_334 = arith.constant 0 : i32
      %dma_wait3A_335 = tpu.memref_slice %arg5[%dma_wait3A_332, %dma_wait3A_333, %dma_wait3A_334] : memref<6x300x2048xf32, #tpu.memory_space<vmem>> -> memref<1x300x2048xf32, #tpu.memory_space<vmem>>
      %dma_wait3A_336 = tpu.memref_squeeze %dma_wait3A_335 : memref<1x300x2048xf32, #tpu.memory_space<vmem>> -> memref<300x2048xf32, #tpu.memory_space<vmem>>
      %dma_wait3A_337 = arith.constant 0 : i32
      %dma_wait3A_338 = tpu.memref_slice %arg0[%dma_wait3A_337, %mul3A_331] : memref<300x100000xf32, #tpu.memory_space<any>> -> memref<300x2048xf32, #tpu.memory_space<any>>
      tpu.wait_dma2 semaphore(%arg11 : memref<!tpu.dma_semaphore, #tpu.memory_space<semaphore_mem>>) src(%dma_wait3A_338 : memref<300x2048xf32, #tpu.memory_space<any>>) dst(%dma_wait3A_336 : memref<300x2048xf32, #tpu.memory_space<vmem>>)
      %get3A_339 = arith.constant 4 : index
      %get3A_340 = arith.constant 0 : index
      %get3A_341 = arith.constant 0 : index
      %get3A_342 = vector.load %arg5[%get3A_339, %get3A_340, %get3A_341] : memref<6x300x2048xf32, #tpu.memory_space<vmem>>, vector<1x300x2048xf32>
      %get3A_343 = vector.shape_cast %get3A_342 : vector<1x300x2048xf32> to vector<300x2048xf32>
      %dot_general3A_344 = arith.constant dense<0.000000e+00> : vector<2048x128xf32>
      %dot_general3A_345 = tpu.matmul %get3A_343, %get3A_1, %dot_general3A_344 {dimension_numbers = #tpu.dot_dimension_numbers<[0], [0], [1], [1], [0, 1, 1, 1], [], []>, transpose_lhs_hint = false} : vector<300x2048xf32>, vector<300x128xf32>, vector<2048x128xf32> -> vector<2048x128xf32>
      %add3A_346 = vector.broadcast %get3A_4 : vector<1x128xf32> to vector<2048x128xf32>
      %add3A_347 = arith.addf %dot_general3A_345, %add3A_346 : vector<2048x128xf32>
      %swap3A_348 = arith.constant 4 : index
      %swap3A_349 = arith.constant 0 : index
      %swap3A_350 = arith.constant 0 : index
      %swap3A_351 = vector.load %arg6[%swap3A_348, %swap3A_349, %swap3A_350] : memref<6x2048x128xf32, #tpu.memory_space<vmem>>, vector<1x2048x128xf32>
      %swap3A_352 = vector.shape_cast %swap3A_351 : vector<1x2048x128xf32> to vector<2048x128xf32>
      %swap3A_353 = vector.shape_cast %add3A_347 : vector<2048x128xf32> to vector<1x2048x128xf32>
      tpu.vector_store %arg6[%swap3A_348, %swap3A_349, %swap3A_350], %swap3A_353 {strides = array<i32>} : memref<6x2048x128xf32, #tpu.memory_space<vmem>>, vector<1x2048x128xf32>,
      %mul3A_354 = arith.constant 2048 : i32
      %mul3A_355 = arith.muli %add3A_324, %mul3A_354 : i32
      %dma_start3A_356 = arith.constant 4 : i32
      %dma_start3A_357 = arith.constant 0 : i32
      %dma_start3A_358 = tpu.memref_slice %arg4[%mul3A_355, %dma_start3A_357] : memref<100000x128xf32, #tpu.memory_space<any>> -> memref<2048x128xf32, #tpu.memory_space<any>>
      %dma_start3A_359 = arith.constant 0 : i32
      %dma_start3A_360 = arith.constant 0 : i32
      %dma_start3A_361 = tpu.memref_slice %arg6[%dma_start3A_356, %dma_start3A_359, %dma_start3A_360] : memref<6x2048x128xf32, #tpu.memory_space<vmem>> -> memref<1x2048x128xf32, #tpu.memory_space<vmem>>
      %dma_start3A_362 = tpu.memref_squeeze %dma_start3A_361 : memref<1x2048x128xf32, #tpu.memory_space<vmem>> -> memref<2048x128xf32, #tpu.memory_space<vmem>>
      tpu.enqueue_dma source(%dma_start3A_362 : memref<2048x128xf32, #tpu.memory_space<vmem>>) target(%dma_start3A_358 : memref<2048x128xf32, #tpu.memory_space<any>>) target_semaphore(%arg17 : memref<!tpu.dma_semaphore, #tpu.memory_space<semaphore_mem>>)
      %add3A_363 = arith.constant 6 : i32
      %add3A_364 = arith.addi %add3A_324, %add3A_363 : i32
      %lt3A_365 = arith.constant 48 : i32
      %lt3A_366 = arith.cmpi slt, %add3A_364, %lt3A_365 : i32
      %convert_element_type3A_367 = arith.extui %lt3A_366 : i1 to i32
      %cond3A_368 = arith.constant 0 : i32
      %cond3A_369 = arith.cmpi ne, %convert_element_type3A_367, %cond3A_368 : i32
      scf.if %cond3A_369 {
        %mul3A_419 = arith.constant 2048 : i32
        %mul3A_420 = arith.muli %add3A_364, %mul3A_419 : i32
        %dma_start3A_421 = arith.constant 4 : i32
        %dma_start3A_422 = arith.constant 0 : i32
        %dma_start3A_423 = arith.constant 0 : i32
        %dma_start3A_424 = tpu.memref_slice %arg5[%dma_start3A_421, %dma_start3A_422, %dma_start3A_423] : memref<6x300x2048xf32, #tpu.memory_space<vmem>> -> memref<1x300x2048xf32, #tpu.memory_space<vmem>>
        %dma_start3A_425 = tpu.memref_squeeze %dma_start3A_424 : memref<1x300x2048xf32, #tpu.memory_space<vmem>> -> memref<300x2048xf32, #tpu.memory_space<vmem>>
        %dma_start3A_426 = arith.constant 0 : i32
        %dma_start3A_427 = tpu.memref_slice %arg0[%dma_start3A_426, %mul3A_420] : memref<300x100000xf32, #tpu.memory_space<any>> -> memref<300x2048xf32, #tpu.memory_space<any>>
        tpu.enqueue_dma source(%dma_start3A_427 : memref<300x2048xf32, #tpu.memory_space<any>>) target(%dma_start3A_425 : memref<300x2048xf32, #tpu.memory_space<vmem>>) target_semaphore(%arg11 : memref<!tpu.dma_semaphore, #tpu.memory_space<semaphore_mem>>)
      } else {
      }
      %mul3A_370 = arith.constant 6 : i32
      %mul3A_371 = arith.muli %scan3A_129, %mul3A_370 : i32
      %add3A_372 = arith.constant 5 : i32
      %add3A_373 = arith.addi %mul3A_371, %add3A_372 : i32
      %ge3A_374 = arith.constant 1 : i32
      %ge3A_375 = arith.cmpi sge, %scan3A_129, %ge3A_374 : i32
      %convert_element_type3A_376 = arith.extui %ge3A_375 : i1 to i32
      %cond3A_377 = arith.constant 0 : i32
      %cond3A_378 = arith.cmpi ne, %convert_element_type3A_376, %cond3A_377 : i32
      scf.if %cond3A_378 {
        %dma_wait3A_419 = arith.constant 5 : i32
        %dma_wait3A_420 = arith.constant 0 : i32
        %dma_wait3A_421 = arith.constant 0 : i32
        %dma_wait3A_422 = tpu.memref_slice %arg4[%dma_wait3A_420, %dma_wait3A_421] : memref<100000x128xf32, #tpu.memory_space<any>> -> memref<2048x128xf32, #tpu.memory_space<any>>
        %dma_wait3A_423 = arith.constant 0 : i32
        %dma_wait3A_424 = arith.constant 0 : i32
        %dma_wait3A_425 = tpu.memref_slice %arg6[%dma_wait3A_419, %dma_wait3A_423, %dma_wait3A_424] : memref<6x2048x128xf32, #tpu.memory_space<vmem>> -> memref<1x2048x128xf32, #tpu.memory_space<vmem>>
        %dma_wait3A_426 = tpu.memref_squeeze %dma_wait3A_425 : memref<1x2048x128xf32, #tpu.memory_space<vmem>> -> memref<2048x128xf32, #tpu.memory_space<vmem>>
        tpu.wait_dma2 semaphore(%arg18 : memref<!tpu.dma_semaphore, #tpu.memory_space<semaphore_mem>>) src(%dma_wait3A_426 : memref<2048x128xf32, #tpu.memory_space<vmem>>) dst(%dma_wait3A_422 : memref<2048x128xf32, #tpu.memory_space<any>>)
      } else {
      }
      %mul3A_379 = arith.constant 2048 : i32
      %mul3A_380 = arith.muli %add3A_373, %mul3A_379 : i32
      %dma_wait3A_381 = arith.constant 5 : i32
      %dma_wait3A_382 = arith.constant 0 : i32
      %dma_wait3A_383 = arith.constant 0 : i32
      %dma_wait3A_384 = tpu.memref_slice %arg5[%dma_wait3A_381, %dma_wait3A_382, %dma_wait3A_383] : memref<6x300x2048xf32, #tpu.memory_space<vmem>> -> memref<1x300x2048xf32, #tpu.memory_space<vmem>>
      %dma_wait3A_385 = tpu.memref_squeeze %dma_wait3A_384 : memref<1x300x2048xf32, #tpu.memory_space<vmem>> -> memref<300x2048xf32, #tpu.memory_space<vmem>>
      %dma_wait3A_386 = arith.constant 0 : i32
      %dma_wait3A_387 = tpu.memref_slice %arg0[%dma_wait3A_386, %mul3A_380] : memref<300x100000xf32, #tpu.memory_space<any>> -> memref<300x2048xf32, #tpu.memory_space<any>>
      tpu.wait_dma2 semaphore(%arg12 : memref<!tpu.dma_semaphore, #tpu.memory_space<semaphore_mem>>) src(%dma_wait3A_387 : memref<300x2048xf32, #tpu.memory_space<any>>) dst(%dma_wait3A_385 : memref<300x2048xf32, #tpu.memory_space<vmem>>)
      %get3A_388 = arith.constant 5 : index
      %get3A_389 = arith.constant 0 : index
      %get3A_390 = arith.constant 0 : index
      %get3A_391 = vector.load %arg5[%get3A_388, %get3A_389, %get3A_390] : memref<6x300x2048xf32, #tpu.memory_space<vmem>>, vector<1x300x2048xf32>
      %get3A_392 = vector.shape_cast %get3A_391 : vector<1x300x2048xf32> to vector<300x2048xf32>
      %dot_general3A_393 = arith.constant dense<0.000000e+00> : vector<2048x128xf32>
      %dot_general3A_394 = tpu.matmul %get3A_392, %get3A_1, %dot_general3A_393 {dimension_numbers = #tpu.dot_dimension_numbers<[0], [0], [1], [1], [0, 1, 1, 1], [], []>, transpose_lhs_hint = false} : vector<300x2048xf32>, vector<300x128xf32>, vector<2048x128xf32> -> vector<2048x128xf32>
      %add3A_395 = vector.broadcast %get3A_4 : vector<1x128xf32> to vector<2048x128xf32>
      %add3A_396 = arith.addf %dot_general3A_394, %add3A_395 : vector<2048x128xf32>
      %swap3A_397 = arith.constant 5 : index
      %swap3A_398 = arith.constant 0 : index
      %swap3A_399 = arith.constant 0 : index
      %swap3A_400 = vector.load %arg6[%swap3A_397, %swap3A_398, %swap3A_399] : memref<6x2048x128xf32, #tpu.memory_space<vmem>>, vector<1x2048x128xf32>
      %swap3A_401 = vector.shape_cast %swap3A_400 : vector<1x2048x128xf32> to vector<2048x128xf32>
      %swap3A_402 = vector.shape_cast %add3A_396 : vector<2048x128xf32> to vector<1x2048x128xf32>
      tpu.vector_store %arg6[%swap3A_397, %swap3A_398, %swap3A_399], %swap3A_402 {strides = array<i32>} : memref<6x2048x128xf32, #tpu.memory_space<vmem>>, vector<1x2048x128xf32>,
      %mul3A_403 = arith.constant 2048 : i32
      %mul3A_404 = arith.muli %add3A_373, %mul3A_403 : i32
      %dma_start3A_405 = arith.constant 5 : i32
      %dma_start3A_406 = arith.constant 0 : i32
      %dma_start3A_407 = tpu.memref_slice %arg4[%mul3A_404, %dma_start3A_406] : memref<100000x128xf32, #tpu.memory_space<any>> -> memref<2048x128xf32, #tpu.memory_space<any>>
      %dma_start3A_408 = arith.constant 0 : i32
      %dma_start3A_409 = arith.constant 0 : i32
      %dma_start3A_410 = tpu.memref_slice %arg6[%dma_start3A_405, %dma_start3A_408, %dma_start3A_409] : memref<6x2048x128xf32, #tpu.memory_space<vmem>> -> memref<1x2048x128xf32, #tpu.memory_space<vmem>>
      %dma_start3A_411 = tpu.memref_squeeze %dma_start3A_410 : memref<1x2048x128xf32, #tpu.memory_space<vmem>> -> memref<2048x128xf32, #tpu.memory_space<vmem>>
      tpu.enqueue_dma source(%dma_start3A_411 : memref<2048x128xf32, #tpu.memory_space<vmem>>) target(%dma_start3A_407 : memref<2048x128xf32, #tpu.memory_space<any>>) target_semaphore(%arg18 : memref<!tpu.dma_semaphore, #tpu.memory_space<semaphore_mem>>)
      %add3A_412 = arith.constant 6 : i32
      %add3A_413 = arith.addi %add3A_373, %add3A_412 : i32
      %lt3A_414 = arith.constant 48 : i32
      %lt3A_415 = arith.cmpi slt, %add3A_413, %lt3A_414 : i32
      %convert_element_type3A_416 = arith.extui %lt3A_415 : i1 to i32
      %cond3A_417 = arith.constant 0 : i32
      %cond3A_418 = arith.cmpi ne, %convert_element_type3A_416, %cond3A_417 : i32
      scf.if %cond3A_418 {
        %mul3A_419 = arith.constant 2048 : i32
        %mul3A_420 = arith.muli %add3A_413, %mul3A_419 : i32
        %dma_start3A_421 = arith.constant 5 : i32
        %dma_start3A_422 = arith.constant 0 : i32
        %dma_start3A_423 = arith.constant 0 : i32
        %dma_start3A_424 = tpu.memref_slice %arg5[%dma_start3A_421, %dma_start3A_422, %dma_start3A_423] : memref<6x300x2048xf32, #tpu.memory_space<vmem>> -> memref<1x300x2048xf32, #tpu.memory_space<vmem>>
        %dma_start3A_425 = tpu.memref_squeeze %dma_start3A_424 : memref<1x300x2048xf32, #tpu.memory_space<vmem>> -> memref<300x2048xf32, #tpu.memory_space<vmem>>
        %dma_start3A_426 = arith.constant 0 : i32
        %dma_start3A_427 = tpu.memref_slice %arg0[%dma_start3A_426, %mul3A_420] : memref<300x100000xf32, #tpu.memory_space<any>> -> memref<300x2048xf32, #tpu.memory_space<any>>
        tpu.enqueue_dma source(%dma_start3A_427 : memref<300x2048xf32, #tpu.memory_space<any>>) target(%dma_start3A_425 : memref<300x2048xf32, #tpu.memory_space<vmem>>) target_semaphore(%arg12 : memref<!tpu.dma_semaphore, #tpu.memory_space<semaphore_mem>>)
      } else {
      }
    }
    %scan3A_55 = arith.constant 8 : i32
    %dma_wait3A = arith.constant 0 : i32
    %dma_wait3A_56 = arith.constant 0 : i32
    %dma_wait3A_57 = arith.constant 0 : i32
    %dma_wait3A_58 = tpu.memref_slice %arg4[%dma_wait3A_56, %dma_wait3A_57] : memref<100000x128xf32, #tpu.memory_space<any>> -> memref<2048x128xf32, #tpu.memory_space<any>>
    %dma_wait3A_59 = arith.constant 0 : i32
    %dma_wait3A_60 = arith.constant 0 : i32
    %dma_wait3A_61 = tpu.memref_slice %arg6[%dma_wait3A, %dma_wait3A_59, %dma_wait3A_60] : memref<6x2048x128xf32, #tpu.memory_space<vmem>> -> memref<1x2048x128xf32, #tpu.memory_space<vmem>>
    %dma_wait3A_62 = tpu.memref_squeeze %dma_wait3A_61 : memref<1x2048x128xf32, #tpu.memory_space<vmem>> -> memref<2048x128xf32, #tpu.memory_space<vmem>>
    tpu.wait_dma2 semaphore(%arg13 : memref<!tpu.dma_semaphore, #tpu.memory_space<semaphore_mem>>) src(%dma_wait3A_62 : memref<2048x128xf32, #tpu.memory_space<vmem>>) dst(%dma_wait3A_58 : memref<2048x128xf32, #tpu.memory_space<any>>)
    %dma_wait3A_63 = arith.constant 1 : i32
    %dma_wait3A_64 = arith.constant 0 : i32
    %dma_wait3A_65 = arith.constant 0 : i32
    %dma_wait3A_66 = tpu.memref_slice %arg4[%dma_wait3A_64, %dma_wait3A_65] : memref<100000x128xf32, #tpu.memory_space<any>> -> memref<2048x128xf32, #tpu.memory_space<any>>
    %dma_wait3A_67 = arith.constant 0 : i32
    %dma_wait3A_68 = arith.constant 0 : i32
    %dma_wait3A_69 = tpu.memref_slice %arg6[%dma_wait3A_63, %dma_wait3A_67, %dma_wait3A_68] : memref<6x2048x128xf32, #tpu.memory_space<vmem>> -> memref<1x2048x128xf32, #tpu.memory_space<vmem>>
    %dma_wait3A_70 = tpu.memref_squeeze %dma_wait3A_69 : memref<1x2048x128xf32, #tpu.memory_space<vmem>> -> memref<2048x128xf32, #tpu.memory_space<vmem>>
    tpu.wait_dma2 semaphore(%arg14 : memref<!tpu.dma_semaphore, #tpu.memory_space<semaphore_mem>>) src(%dma_wait3A_70 : memref<2048x128xf32, #tpu.memory_space<vmem>>) dst(%dma_wait3A_66 : memref<2048x128xf32, #tpu.memory_space<any>>)
    %dma_wait3A_71 = arith.constant 2 : i32
    %dma_wait3A_72 = arith.constant 0 : i32
    %dma_wait3A_73 = arith.constant 0 : i32
    %dma_wait3A_74 = tpu.memref_slice %arg4[%dma_wait3A_72, %dma_wait3A_73] : memref<100000x128xf32, #tpu.memory_space<any>> -> memref<2048x128xf32, #tpu.memory_space<any>>
    %dma_wait3A_75 = arith.constant 0 : i32
    %dma_wait3A_76 = arith.constant 0 : i32
    %dma_wait3A_77 = tpu.memref_slice %arg6[%dma_wait3A_71, %dma_wait3A_75, %dma_wait3A_76] : memref<6x2048x128xf32, #tpu.memory_space<vmem>> -> memref<1x2048x128xf32, #tpu.memory_space<vmem>>
    %dma_wait3A_78 = tpu.memref_squeeze %dma_wait3A_77 : memref<1x2048x128xf32, #tpu.memory_space<vmem>> -> memref<2048x128xf32, #tpu.memory_space<vmem>>
    tpu.wait_dma2 semaphore(%arg15 : memref<!tpu.dma_semaphore, #tpu.memory_space<semaphore_mem>>) src(%dma_wait3A_78 : memref<2048x128xf32, #tpu.memory_space<vmem>>) dst(%dma_wait3A_74 : memref<2048x128xf32, #tpu.memory_space<any>>)
    %dma_wait3A_79 = arith.constant 3 : i32
    %dma_wait3A_80 = arith.constant 0 : i32
    %dma_wait3A_81 = arith.constant 0 : i32
    %dma_wait3A_82 = tpu.memref_slice %arg4[%dma_wait3A_80, %dma_wait3A_81] : memref<100000x128xf32, #tpu.memory_space<any>> -> memref<2048x128xf32, #tpu.memory_space<any>>
    %dma_wait3A_83 = arith.constant 0 : i32
    %dma_wait3A_84 = arith.constant 0 : i32
    %dma_wait3A_85 = tpu.memref_slice %arg6[%dma_wait3A_79, %dma_wait3A_83, %dma_wait3A_84] : memref<6x2048x128xf32, #tpu.memory_space<vmem>> -> memref<1x2048x128xf32, #tpu.memory_space<vmem>>
    %dma_wait3A_86 = tpu.memref_squeeze %dma_wait3A_85 : memref<1x2048x128xf32, #tpu.memory_space<vmem>> -> memref<2048x128xf32, #tpu.memory_space<vmem>>
    tpu.wait_dma2 semaphore(%arg16 : memref<!tpu.dma_semaphore, #tpu.memory_space<semaphore_mem>>) src(%dma_wait3A_86 : memref<2048x128xf32, #tpu.memory_space<vmem>>) dst(%dma_wait3A_82 : memref<2048x128xf32, #tpu.memory_space<any>>)
    %dma_wait3A_87 = arith.constant 4 : i32
    %dma_wait3A_88 = arith.constant 0 : i32
    %dma_wait3A_89 = arith.constant 0 : i32
    %dma_wait3A_90 = tpu.memref_slice %arg4[%dma_wait3A_88, %dma_wait3A_89] : memref<100000x128xf32, #tpu.memory_space<any>> -> memref<2048x128xf32, #tpu.memory_space<any>>
    %dma_wait3A_91 = arith.constant 0 : i32
    %dma_wait3A_92 = arith.constant 0 : i32
    %dma_wait3A_93 = tpu.memref_slice %arg6[%dma_wait3A_87, %dma_wait3A_91, %dma_wait3A_92] : memref<6x2048x128xf32, #tpu.memory_space<vmem>> -> memref<1x2048x128xf32, #tpu.memory_space<vmem>>
    %dma_wait3A_94 = tpu.memref_squeeze %dma_wait3A_93 : memref<1x2048x128xf32, #tpu.memory_space<vmem>> -> memref<2048x128xf32, #tpu.memory_space<vmem>>
    tpu.wait_dma2 semaphore(%arg17 : memref<!tpu.dma_semaphore, #tpu.memory_space<semaphore_mem>>) src(%dma_wait3A_94 : memref<2048x128xf32, #tpu.memory_space<vmem>>) dst(%dma_wait3A_90 : memref<2048x128xf32, #tpu.memory_space<any>>)
    %dma_wait3A_95 = arith.constant 5 : i32
    %dma_wait3A_96 = arith.constant 0 : i32
    %dma_wait3A_97 = arith.constant 0 : i32
    %dma_wait3A_98 = tpu.memref_slice %arg4[%dma_wait3A_96, %dma_wait3A_97] : memref<100000x128xf32, #tpu.memory_space<any>> -> memref<2048x128xf32, #tpu.memory_space<any>>
    %dma_wait3A_99 = arith.constant 0 : i32
    %dma_wait3A_100 = arith.constant 0 : i32
    %dma_wait3A_101 = tpu.memref_slice %arg6[%dma_wait3A_95, %dma_wait3A_99, %dma_wait3A_100] : memref<6x2048x128xf32, #tpu.memory_space<vmem>> -> memref<1x2048x128xf32, #tpu.memory_space<vmem>>
    %dma_wait3A_102 = tpu.memref_squeeze %dma_wait3A_101 : memref<1x2048x128xf32, #tpu.memory_space<vmem>> -> memref<2048x128xf32, #tpu.memory_space<vmem>>
    tpu.wait_dma2 semaphore(%arg18 : memref<!tpu.dma_semaphore, #tpu.memory_space<semaphore_mem>>) src(%dma_wait3A_102 : memref<2048x128xf32, #tpu.memory_space<vmem>>) dst(%dma_wait3A_98 : memref<2048x128xf32, #tpu.memory_space<any>>)
    %get3A_103 = arith.constant 0 : index
    %get3A_104 = arith.constant 0 : index
    %get3A_105 = vector.load %arg1[%get3A_103, %get3A_104] : memref<300x1696xf32, #tpu.memory_space<vmem>>, vector<300x1696xf32>
    %dot_general3A = arith.constant dense<0.000000e+00> : vector<1696x128xf32>
    %dot_general3A_106 = tpu.matmul %get3A_105, %get3A_1, %dot_general3A {dimension_numbers = #tpu.dot_dimension_numbers<[0], [0], [1], [1], [0, 1, 1, 1], [], []>, transpose_lhs_hint = false} : vector<300x1696xf32>, vector<300x128xf32>, vector<1696x128xf32> -> vector<1696x128xf32>
    %add3A = vector.broadcast %get3A_4 : vector<1x128xf32> to vector<1696x128xf32>
    %add3A_107 = arith.addf %dot_general3A_106, %add3A : vector<1696x128xf32>
    %swap3A = arith.constant 0 : index
    %swap3A_108 = arith.constant 0 : index
    %swap3A_109 = arith.constant 0 : index
    %swap3A_110 = vector.load %arg6[%swap3A, %swap3A_108, %swap3A_109] : memref<6x2048x128xf32, #tpu.memory_space<vmem>>, vector<1x1696x128xf32>
    %swap3A_111 = vector.shape_cast %swap3A_110 : vector<1x1696x128xf32> to vector<1696x128xf32>
    %swap3A_112 = vector.shape_cast %add3A_107 : vector<1696x128xf32> to vector<1x1696x128xf32>
    tpu.vector_store %arg6[%swap3A, %swap3A_108, %swap3A_109], %swap3A_112 {strides = array<i32>} : memref<6x2048x128xf32, #tpu.memory_space<vmem>>, vector<1x1696x128xf32>,
    %dma_start3A_113 = arith.constant 0 : i32
    %dma_start3A_114 = arith.constant 98304 : i32
    %dma_start3A_115 = arith.constant 0 : i32
    %dma_start3A_116 = tpu.memref_slice %arg4[%dma_start3A_114, %dma_start3A_115] : memref<100000x128xf32, #tpu.memory_space<any>> -> memref<1696x128xf32, #tpu.memory_space<any>>
    %dma_start3A_117 = arith.constant 0 : i32
    %dma_start3A_118 = arith.constant 0 : i32
    %dma_start3A_119 = tpu.memref_slice %arg6[%dma_start3A_113, %dma_start3A_117, %dma_start3A_118] : memref<6x2048x128xf32, #tpu.memory_space<vmem>> -> memref<1x1696x128xf32, #tpu.memory_space<vmem>>
    %dma_start3A_120 = tpu.memref_squeeze %dma_start3A_119 : memref<1x1696x128xf32, #tpu.memory_space<vmem>> -> memref<1696x128xf32, #tpu.memory_space<vmem>>
    tpu.enqueue_dma source(%dma_start3A_120 : memref<1696x128xf32, #tpu.memory_space<vmem>>) target(%dma_start3A_116 : memref<1696x128xf32, #tpu.memory_space<any>>) target_semaphore(%arg13 : memref<!tpu.dma_semaphore, #tpu.memory_space<semaphore_mem>>)
    %dma_wait3A_121 = arith.constant 0 : i32
    %dma_wait3A_122 = arith.constant 98304 : i32
    %dma_wait3A_123 = arith.constant 0 : i32
    %dma_wait3A_124 = tpu.memref_slice %arg4[%dma_wait3A_122, %dma_wait3A_123] : memref<100000x128xf32, #tpu.memory_space<any>> -> memref<1696x128xf32, #tpu.memory_space<any>>
    %dma_wait3A_125 = arith.constant 0 : i32
    %dma_wait3A_126 = arith.constant 0 : i32
    %dma_wait3A_127 = tpu.memref_slice %arg6[%dma_wait3A_121, %dma_wait3A_125, %dma_wait3A_126] : memref<6x2048x128xf32, #tpu.memory_space<vmem>> -> memref<1x1696x128xf32, #tpu.memory_space<vmem>>
    %dma_wait3A_128 = tpu.memref_squeeze %dma_wait3A_127 : memref<1x1696x128xf32, #tpu.memory_space<vmem>> -> memref<1696x128xf32, #tpu.memory_space<vmem>>
    tpu.wait_dma2 semaphore(%arg13 : memref<!tpu.dma_semaphore, #tpu.memory_space<semaphore_mem>>) src(%dma_wait3A_128 : memref<1696x128xf32, #tpu.memory_space<vmem>>) dst(%dma_wait3A_124 : memref<1696x128xf32, #tpu.memory_space<any>>)
    return
  }
}

</mosaic_0001>

<sc_bundles>
// kernel: kernel.4.cloned.1.call-start
scs
__scs_entry_jumppad:
0x0: {  	(pc) =	sbr.rel $0x88, $3  }
0x1: {  	(tag) =	ssettag $0x0;
	lr =	simm.s32 $0x1  }
0x2: {  	[smem:$0x3F9D] =	sst lr;
	_ =	strace $0xD0000000  }
0x3: {  	_ = 	snop  }
0x4: {  	_ = 	snop  }
0x5: {  	_ = 	snop  }
0x6: {  	_ = 	snop  }
0x7: {  	_ = 	snop  }
__scs_overlays_trampoline_lowered:
0x8: {  	[smem:$0x3FAC] =	sst s0  }
0x9: {  	[smem:$0x3FAD] =	sst s1  }
0xa: {  	[smem:$0x3FAE] =	sst s2  }
0xb: {  	[smem:$0x3FAF] =	sst s3  }
0xc: {  	[smem:$0x3FB0] =	sst s4  }
0xd: {  	[smem:$0x3FB1] =	sst s5  }
0xe: {  	[smem:$0x3FB2] =	sst s6  }
0xf: {  	[smem:$0x3FB3] =	sst s7  }
0x10: {  	[smem:$0x3FB4] =	sst s8  }
0x11: {  	[smem:$0x3FB5] =	sst s9;
	s0 =	simm.s32 @!p0 $0x0  }
0x12: {  	s1 =	sld [smem:$0x3F9B];
	s0 =	simm.s32 @p0 $0x1  }
0x13: {  	[smem:$0x3FB6] =	sst s0;
	s0 =	simm.s32 @!p1 $0x0  }
0x14: {  	s2 =	sld [smem:$0x3F9A];
	s0 =	simm.s32 @p1 $0x1  }
0x15: {  	[smem:$0x3FB7] =	sst s0;
	s0 =	simm.s32 @!p2 $0x0  }
0x16: {  	s3 =	sld [smem:$0x3FDB];
	s0 =	simm.s32 @p2 $0x1  }
0x17: {  	s4 =	simm.s32 $0x1BF5;
	[smem:$0x3FB9] =	sst s0  }
0x18: {  	s0 =	sld [smem:$0x3F9C];
	_ =	swait.ge [sflag:s4], $0x0  }
0x19: {  	s7 =	sld [smem:$0x3F9D]  }
0x1a: {  	s8 =	sadd.s32 $0xFFFFE003, lr  }
0x1b: {  	s9 =	sadd.s32 $0xFFFFFEF7, lr;
	s5 =	simm.s32 $0xFFFFFFFF;
	p2 =	slt.u32 s8, $0xFFFFF086  }
0x1c: {  	p1 =	slt.u32 s9, $0xF7A;
	s5 =	simm.s32 @!p2 $0x0  }
0x1d: {  	s5 =	simm.s32 @p1 $0x1;
	p0 =	seq.s32 s7, s2  }
0x1e: {  	s7 =	smul.u32 @!p0 $0xF7A, s2;
	p2 =	seq.s32 @!p0 s5, $0x0  }
0x1f: {  	s9 =	smul.u32 $0xF7A, s1;
	s8 =	simm.s32 @!p0 $0x1BF5;
	p2 =	por !p2, p0  }
0x20: {  	[sflag:s8] =	ssyncset.s32 @!p0 $0xFFFFF086;
	s6 =	sadd.s32 @!p0 s3, s7;
	s7 =	simm.s32 @!p0 $0x108  }
0x21: {  	s3 =	sadd.s32 s3, s9;
	s6 =	sadd.s32 @!p0 $0x88, s6;
	s7 =	simm.s32 @p2 $0x1082  }
0x22: {  	[simem:s7], [sflag:s8] =	dma.local @!p0 [hbm:s6], $0xF7A  }
0x23: {  	s9 =	sor.u32 $0xD0000000, s2;
	s6 =	simm.s32 $0x108;
	_ =	swait.ge @!p0 [sflag:s8], $0x0  }
0x24: {  	s3 =	sadd.s32 $0x88, s3;
	s6 =	simm.s32 @!p1 $0x1082;
	[sflag:s4] =	ssyncset.s32 $0xFFFFF086  }
0x25: {  	[simem:s6], [sflag:s4] =	dma.local [hbm:s3], $0xF7A  }
0x26: {  	[smem:$0x3F9D] =	sst s1;
	(tag) =	ssettag s2;
	_ =	strace s9  }
0x27: {  	s1 =	sld [smem:$0x3FAD]  }
0x28: {  	s2 =	sld [smem:$0x3FAE]  }
0x29: {  	s4 =	sld [smem:$0x3FB0]  }
0x2a: {  	p0 =	seq.s32 s5, $0x0;
	s5 =	sld [smem:$0x3FB1]  }
0x2b: {  	s6 =	sld [smem:$0x3FB2]  }
0x2c: {  	s7 =	sld [smem:$0x3FB3]  }
0x2d: {  	s3 =	simm.s32 $0x108;
	s8 =	sld [smem:$0x3FB4]  }
0x2e: {  	s3 =	simm.s32 @!p0 $0x1082;
	s9 =	sld [smem:$0x3FB5]  }
0x2f: {  	lr =	sadd.s32 s0, s3;
	s0 =	sld [smem:$0x3FAC]  }
0x30: {  	s3 =	sld [smem:$0x3FAF]  }
0x31: {  	[smem:$0x3FB8] =	sst s10  }
0x32: {  	s10 =	sld [smem:$0x3FB6];
	_ =	sdelay $0x3  }
0x33: {  	p0 =	seq.s32 s10, $0x1;
	s10 =	sld [smem:$0x3FB8];
	_ =	sdelay $0x3  }
0x34: {  	[smem:$0x3FB8] =	sst s10  }
0x35: {  	s10 =	sld [smem:$0x3FB7];
	_ =	sdelay $0x3  }
0x36: {  	p1 =	seq.s32 s10, $0x1;
	s10 =	sld [smem:$0x3FB8];
	_ =	sdelay $0x3  }
0x37: {  	[smem:$0x3FB8] =	sst s10  }
0x38: {  	s10 =	sld [smem:$0x3FB9]  }
0x39: {  	_ = 	snop;
	(pc) =	sbr.ind lr, $3  }
0x3a: {  	_ = 	snop  }
0x3b: {  	_ = 	snop  }
0x3c: {  	p2 =	seq.s32 s10, $0x1;
	s10 =	sld [smem:$0x3FB8]  }
0x3d: {  	_ =	shalt  }
0x3e: {  	_ =	shalt  }
0x3f: {  	_ =	shalt  }
0x40: {  	_ =	shalt  }
0x41: {  	_ =	shalt  }
0x42: {  	_ =	shalt  }
0x43: {  	_ =	shalt  }
0x44: {  	_ =	shalt  }
0x45: {  	_ =	shalt  }
0x46: {  	_ =	shalt  }
0x47: {  	_ =	shalt  }
0x48: {  	_ =	shalt  }
0x49: {  	_ =	shalt  }
0x4a: {  	_ =	shalt  }
0x4b: {  	_ =	shalt  }
0x4c: {  	_ =	shalt  }
0x4d: {  	_ =	shalt  }
0x4e: {  	_ =	shalt  }
0x4f: {  	_ =	shalt  }
0x50: {  	_ =	shalt  }
0x51: {  	_ =	shalt  }
0x52: {  	_ =	shalt  }
0x53: {  	_ =	shalt  }
0x54: {  	_ =	shalt  }
0x55: {  	_ =	shalt  }
0x56: {  	_ =	shalt  }
0x57: {  	_ =	shalt  }
0x58: {  	_ =	shalt  }
0x59: {  	_ =	shalt  }
0x5a: {  	_ =	shalt  }
0x5b: {  	_ =	shalt  }
0x5c: {  	_ =	shalt  }
0x5d: {  	_ =	shalt  }
0x5e: {  	_ =	shalt  }
0x5f: {  	_ =	shalt  }
0x60: {  	_ =	shalt  }
0x61: {  	_ =	shalt  }
0x62: {  	_ =	shalt  }
0x63: {  	_ =	shalt  }
0x64: {  	_ =	shalt  }
0x65: {  	_ =	shalt  }
0x66: {  	_ =	shalt  }
0x67: {  	_ =	shalt  }
0x68: {  	_ =	shalt  }
0x69: {  	_ =	shalt  }
0x6a: {  	_ =	shalt  }
0x6b: {  	_ =	shalt  }
0x6c: {  	_ =	shalt  }
0x6d: {  	_ =	shalt  }
0x6e: {  	_ =	shalt  }
0x6f: {  	_ =	shalt  }
0x70: {  	_ =	shalt  }
0x71: {  	_ =	shalt  }
0x72: {  	_ =	shalt  }
0x73: {  	_ =	shalt  }
0x74: {  	_ =	shalt  }
0x75: {  	_ =	shalt  }
0x76: {  	_ =	shalt  }
0x77: {  	_ =	shalt  }
0x78: {  	_ =	shalt  }
0x79: {  	_ =	shalt  }
0x7a: {  	_ =	shalt  }
0x7b: {  	_ =	shalt  }
0x7c: {  	_ =	shalt  }
0x7d: {  	_ =	shalt  }
0x7e: {  	_ =	shalt  }
0x7f: {  	_ =	shalt  }
0x80: {  	_ =	shalt  }
0x81: {  	_ =	shalt  }
0x82: {  	_ =	shalt  }
0x83: {  	_ =	shalt  }
0x84: {  	_ =	shalt  }
0x85: {  	_ =	shalt  }
0x86: {  	_ =	shalt  }
0x87: {  	_ =	shalt  }
.Lfunc_end0:
.L_simem_size_0:
called_computation_lowered:
.L_overlay_start_0:
0x88: {  	s2 =	sld [smem:$0x3FD9]  }
0x89: {  	s3 =	sld [smem:$0x3FFE];
	_ =	sdelay $0x1  }
0x8a: {  	s1 =	srdreg.scid  }
0x8b: {  	s0 =	sand.u32 $0x1, s1  }
0x8c: {  	s17 =	sshll.u32 s0, $0xA;
	s2 =	sadd.s32 s3, s2  }
0x8d: {  	s2 =	sadd.s32 s2, s17  }
0x8e: {  	[smem:$0x3FC4] =	sst s2  }
0x8f: {  	_ = 	snop  }
0x90: {  	s2 =	sld [smem:$0x3FC9]  }
0x91: {  	s18 =	sld [smem:$0x3FD0];
	(tm) =	ssettm $0x1  }
0x92: {  	s4 =	sld [smem:$0x3FFB];
	_ =	sdelay $0x3  }
0x93: {  	_ =	strace s4  }
0x94: {  	s4 =	sld [smem:$0x3FFC];
	_ =	sdelay $0x3  }
0x95: {  	_ =	strace s4  }
0x96: {  	s4 =	sld [smem:$0x3FFD];
	_ =	sdelay $0x3  }
0x97: {  	_ =	strace s4  }
0x98: {  	_ =	strace $0x8FFFFFFF  }
0x99: {  	s19 =	sld [smem:$0x3FDB];
	_ =	sdelay $0x1  }
0x9a: {  	s5 =	simm.s32 $_scs_section_size  }
0x9b: {  	s6 =	simm.s32 $_size__tile_overlayer_lowered;
	s7 =	simm.s32 $_tile_overlayer_lowered  }
0x9c: {  	s22 =	simm.s32 $0x1BFF;
	s21 =	sshll.u32 s7, $0x1;
	s4 =	sadd.s32 s5, s19  }
0x9d: {  	s8 =	simm.s32 $0x0;
	s20 =	sshll.u32 s6, $0x1;
	s6 =	sadd.s32 s21, s4  }
0x9e: {  	[timem:s8], [sflag:s22] =	dma.local [hbm:s6], s20  }
0x9f: {  	_ =	swait.ge [sflag:s22], s20  }
0xa0: {  	s5 =	ssub.s32 $0x0, s20;
	[sflag:s22] =	ssyncset.done $0x0  }
0xa1: {  	[sflag:s22] =	ssyncadd.s32 s5;
	_ =	sdelay $0x1  }
0xa2: {  	s23 =	simm.s32 $0x1B8B  }
0xa3: {  	_ =	swait.ge [sflag:s23], $0x1  }
0xa4: {  	[sflag:s23] =	ssyncset.done $0x0  }
0xa5: {  	s25 =	simm.s32 $0x1B8E;
	s24 =	sld [smem:$0x3FFE];
	[sflag:s23] =	ssyncadd.s32 $0xFFFFFFFF  }
0xa6: {  	s26 =	simm.s32 $execute0_lowered;
	[smem:$0x3FD2] =	sst s25  }
0xa7: {  	s6 =	sshll.u32 s26, $0x1;
	_ =	strace $0x80000046;
	[dreg:$0x1] =	wrdreg $0xFFFFFFFF  }
0xa8: {  	s28 =	simm.s32 $_size_execute0_lowered;
	s4 =	sadd.s32 s4, s6;
	[dreg:$0x0] =	wrdreg $0x0  }
0xa9: {  	s6 =	sshll.u32 s28, $0x1;
	[dreg:$0x2] =	wrdreg s4  }
0xaa: {  	[dreg:$0x3] =	wrdreg s6  }
0xab: {  	[dreg:$0x4] =	wrdreg $0xC0  }
0xac: {  	_ =	task [dreg:s8], $0x5FFFF  }
0xad: {  	[dreg:$0x1] =	wrdreg $0xFFFFFFFF  }
0xae: {  	[dreg:$0x0] =	wrdreg $0x60  }
0xaf: {  	[dreg:$0x2] =	wrdreg s2  }
0xb0: {  	[dreg:$0x3] =	wrdreg s24  }
0xb1: {  	[dreg:$0x4] =	wrdreg s18  }
0xb2: {  	[dreg:$0x5] =	wrdreg $0x9  }
0xb3: {  	_ =	task.clear_ibuf [dreg:s8], $0x6FFFF;
	_ =	strace $0x90000046  }
0xb4: {  	s29 =	simm.s32 $0x9;
	_ =	strace $0x80000048  }
0xb5: {  	_ =	swait.ge [sflag:s29], $0x1  }
0xb6: {  	[sflag:s29] =	ssyncadd.s32 $0xFFFFFFFF  }
0xb7: {  	_ =	strace $0x90000048  }
0xb8: {  	_ =	sfence  }
0xb9: {  	s30 =	sld [smem:$0x0];
	_ =	sdelay $0x2  }
0xba: {  	s31 =	sshll.u32 s1, $0xD;
	s1 =	sshrl.u32 s1, $0x2  }
0xbb: {  	s3 =	sand.u32 $0x4000, s31;
	s1 =	sadd.s32 s1, s30  }
0xbc: {  	s0 =	sor.u32 s3, s0;
	s1 =	sshll.u32 s1, $0x11  }
0xbd: {  	s0 =	sor.u32 s1, s0  }
0xbe: {  	s0 =	sadd.s32 $0x8F2B, s0  }
0xbf: {  	[sflag:s0] =	ssyncadd.remote.s32 $0x1  }
0xc0: {  	_ =	sfence.sel $0xFFFF  }
0xc1: {  	[dreg:$0x0] =	wrdreg $0xFFFFFFFF;
	(pc) =	sbr.abs _section_cstart, $3  }
0xc2: {  	[dreg:$0x1] =	wrdreg $0xFFFFFFFF  }
0xc3: {  	_ =	task.clear_ibuf [dreg:s8], $0x2FFFF;
	_ =	strace $0x9FFFFFFF  }
0xc4: {  	(tm) =	ssettm $0x7FFFFFFF  }
0xc5: {  	_ =	shalt  }
tec
execute0_lowered:
.L_overlay_start_1:
0x0: {  	(tag) =	ssettag $0x1  }
0x1: {  	s5 =	rddreg [dreg:$0x0]  }
0x2: {  	s3 =	rddreg [dreg:$0x1]  }
0x3: {  	s1 =	rddreg [dreg:$0x2];
	s2 =	simm.s32 $0x0  }
0x4: {  	s6 =	srdreg.scid;
	s11 =	simm.s32 $0x8000;
	s14 =	simm.s32 $0x80  }
0x5: {  	s12 =	simm.s32 $0x1800;
	s13 =	simm.s32 $0x6;
	s15 =	simm.s32 $0x1  }
0x6: {  	s16 =	simm.s32 $0x1C00;
	s17 =	simm.s32 $0x5C00;
	s18 =	simm.s32 $0x9C00  }
0x7: {  	s19 =	simm.s32 $0xDC00;
	s20 =	simm.s32 $0x0;
	[smem:$0x7FF] =	sst s2  }
0x8: {  	s4 =	sadd.s32 $0x800, s3;
	s3 =	stileid.u32;
	s6 =	sand.u32 $0x1, s6  }
0x9: {  	_ =	strace $0x80000047;
	s7 =	ssub.s32 $0x2, s6;
	[dreg:$0x4] =	wrdreg s14  }
0xa: {  	s8 =	sshll.u32 s3, $0x8;
	s9 =	sshll.u32 s6, $0x7;
	[dreg:$0x5] =	wrdreg s16  }
0xb: {  	s31 =	sshll.u32 s3, $0xF;
	s6 =	sshll.u32 s6, $0xE;
	[dreg:$0x6] =	wrdreg s17  }
0xc: {  	s14 =	simm.s32 $0x11C00;
	s16 =	simm.s32 $0x2;
	[dreg:$0x7] =	wrdreg s18  }
0xd: {  	s17 =	simm.s32 $0x3;
	s18 =	simm.s32 $0x4;
	[dreg:$0x8] =	wrdreg s19  }
0xe: {  	s19 =	simm.s32 $0x5;
	s8 =	sor.u32 s9, s8;
	s10 =	sshrl.u32 s7, $0x1  }
0xf: {  	s9 =	sor.u32 s6, s31;
	s5 =	sadd.s32 s5, s8;
	s10 =	ssub.s32 s7, s10  }
0x10: {  	s9 =	sshrl.u32 s9, $0x3;
	s7 =	sshll.u32 s8, $0x7;
	s6 =	sadd.s32 $0x6000, s5  }
0x11: {  	s8 =	smax.u32 s10, $0x1;
	s9 =	sadd.s32 s9, s1;
	s10 =	simm.s32 $0x400  }
.LBB2_1:
0x12: {  	[tilespmem:s2], [sflag:$0x6] =	stream.strided.gather [hbm4b:s5+s10], $0x1800, s11, s10, $0x38;
	[tilespmem:$0x15C00] =	vst v63  }
0x13: {  	_ = 	snop  }
0x14: {  	[tilespmem:s12], [sflag:$0x6] =	stream.linear.gather [hbm4b:s6+s2], $0x100, $0x38;
	[tilespmem:$0x15C00] =	vst v63  }
0x15: {  	_ =	swait.ge [sflag:s13], $0x1900  }
0x16: {  	p0 =	por $0x0, $0x0;
	[sflag:s13] =	ssyncset.done $0x0  }
0x17: {  	s21 =	simm.s32 @p0 $0x1;
	[sflag:s13] =	ssyncadd.s32 $0xFFFFE700  }
0x18: {  	_ =	swait.ge @p0 [sflag:s21], $0x4000  }
0x19: {  	s22 =	simm.s32 @p0 $0x1C00;
	s23 =	simm.s32 @p0 $0x2;
	[sflag:s21] =	ssyncset.done @p0 $0x0  }
0x1a: {  	s24 =	simm.s32 @p0 $0x80;
	[sflag:s21] =	ssyncadd.s32 @p0 $0xFFFFC000;
	s21 =	simm.s32 @p0 $0x0  }
0x1b: {  	[tilespmem:s22], [sflag:$0x1] =	stream.indirect.gather @p0 [hbm4b:s4+s24], $0x80, s21, s24, $0xb8;
	[tilespmem:$0x15C00] =	vst v63  }
0x1c: {  	_ =	swait.ge @p0 [sflag:s23], $0x4000  }
0x1d: {  	s21 =	simm.s32 @p0 $0x80;
	[sflag:s23] =	ssyncset.done @p0 $0x0  }
0x1e: {  	s22 =	simm.s32 @p0 $0x5C00;
	[sflag:s23] =	ssyncadd.s32 @p0 $0xFFFFC000;
	s23 =	simm.s32 @p0 $0x3  }
0x1f: {  	[tilespmem:s22], [sflag:$0x2] =	stream.indirect.gather @p0 [hbm4b:s4+s24], $0x80, s21, s24, $0xb8;
	[tilespmem:$0x15C00] =	vst v63  }
0x20: {  	_ =	swait.ge @p0 [sflag:s23], $0x4000  }
0x21: {  	s21 =	simm.s32 @p0 $0x100;
	[sflag:s23] =	ssyncset.done @p0 $0x0  }
0x22: {  	s22 =	simm.s32 @p0 $0x9C00;
	[sflag:s23] =	ssyncadd.s32 @p0 $0xFFFFC000;
	s23 =	simm.s32 @p0 $0x4  }
0x23: {  	[tilespmem:s22], [sflag:$0x3] =	stream.indirect.gather @p0 [hbm4b:s4+s24], $0x80, s21, s24, $0xb8;
	[tilespmem:$0x15C00] =	vst v63  }
0x24: {  	_ =	swait.ge @p0 [sflag:s23], $0x4000  }
0x25: {  	s21 =	simm.s32 @p0 $0x180;
	[sflag:s23] =	ssyncset.done @p0 $0x0  }
0x26: {  	s22 =	simm.s32 @p0 $0xDC00;
	[sflag:s23] =	ssyncadd.s32 @p0 $0xFFFFC000;
	s23 =	simm.s32 @p0 $0x5  }
0x27: {  	[tilespmem:s22], [sflag:$0x4] =	stream.indirect.gather @p0 [hbm4b:s4+s24], $0x80, s21, s24, $0xb8;
	[tilespmem:$0x15C00] =	vst v63  }
0x28: {  	_ =	swait.ge @p0 [sflag:s23], $0x4000  }
0x29: {  	s21 =	simm.s32 @!p0 $0x1C00;
	[sflag:s23] =	ssyncset.done @p0 $0x0  }
0x2a: {  	s22 =	simm.s32 @!p0 $0x80;
	[sflag:s23] =	ssyncadd.s32 @p0 $0xFFFFC000;
	s23 =	simm.s32 @!p0 $0x0  }
0x2b: {  	[tilespmem:s21], [sflag:$0x1] =	stream.indirect.gather @!p0 [hbm4b:s4+s22], $0x80, s23, s22, $0xb8;
	[tilespmem:$0x15C00] =	vst v63  }
0x2c: {  	s21 =	simm.s32 @!p0 $0x5C00;
	s23 =	simm.s32 $0x4  }
0x2d: {  	[tilespmem:s21], [sflag:$0x2] =	stream.indirect.gather @!p0 [hbm4b:s4+s22], $0x80, s22, s22, $0xb8;
	[tilespmem:$0x15C00] =	vst v63  }
0x2e: {  	s25 =	simm.s32 @!p0 $0x9C00;
	s24 =	simm.s32 @!p0 $0x100;
	s23 =	simm.s32 @!p0 $0x4  }
0x2f: {  	[tilespmem:s25], [sflag:$0x3] =	stream.indirect.gather @!p0 [hbm4b:s4+s22], $0x80, s24, s22, $0xb8;
	[tilespmem:$0x15C00] =	vst v63  }
0x30: {  	s21 =	simm.s32 @!p0 $0xDC00;
	s0 =	sshll.u32 s23, $0x7;
	s24 =	simm.s32 @!p0 $0x180  }
0x31: {  	[tilespmem:s21], [sflag:$0x4] =	stream.indirect.gather @!p0 [hbm4b:s4+s22], $0x80, s24, s22, $0xb8;
	[tilespmem:$0x15C00] =	vst v63  }
0x32: {  	s26 =	rddreg [dreg:$0x4];
	s22 =	sand.u32 $0x3FFFFF80, s0  }
0x33: {  	[tilespmem:s14], [sflag:$0x5] =	stream.indirect.gather [hbm4b:s4+s26], $0x80, s22, s26, $0xb8;
	[tilespmem:$0x15C00] =	vst v63  }
0x34: {  	s22 =	simm.s32 @p0 $0x80000  }
0x35: {  	s30 =	sshll.u32 s23, $0x13;
	_ =	swait.ge [sflag:s15], $0x4000;
	s22 =	simm.s32 @!p0 $0x80000  }
0x36: {  	s23 =	sadd.s32 $0x50000, s9;
	[sflag:s15] =	ssyncset.done $0x0;
	s25 =	sor.u32 s7, s22  }
0x37: {  	s24 =	rddreg [dreg:$0x5];
	[sflag:s15] =	ssyncadd.s32 $0xFFFFC000;
	s21 =	sshrl.u32 s25, $0x3  }
0x38: {  	[hbm4b:s9+s2] =	stream.linear.scatter [tilespmem:s24], [sflag:$0x1], $0x4000, $0x38;
	[tilespmem:$0x15C00] =	vst v63  }
0x39: {  	s25 =	simm.s32 $0x1400;
	s24 =	simm.s32 @p0 $0x100000;
	_ =	swait.ge [sflag:s16], $0x4000  }
0x3a: {  	s21 =	sadd.s32 s1, s21;
	s24 =	simm.s32 @!p0 $0x100000;
	[sflag:s16] =	ssyncset.done $0x0  }
0x3b: {  	s26 =	rddreg [dreg:$0x6];
	s28 =	sor.u32 s7, s24;
	[sflag:s16] =	ssyncadd.s32 $0xFFFFC000  }
0x3c: {  	[hbm4b:s21+s2] =	stream.linear.scatter [tilespmem:s26], [sflag:$0x2], $0x4000, $0x38;
	[tilespmem:$0x15C00] =	vst v63  }
0x3d: {  	s24 =	simm.s32 $0xA00;
	s22 =	sshrl.u32 s28, $0x3;
	_ =	swait.ge [sflag:s17], $0x4000  }
0x3e: {  	s21 =	simm.s32 $0x180000;
	s22 =	sadd.s32 s1, s22;
	[sflag:s17] =	ssyncset.done $0x0  }
0x3f: {  	s21 =	simm.s32 @!p0 $0x180000;
	s29 =	rddreg [dreg:$0x7];
	[sflag:s17] =	ssyncadd.s32 $0xFFFFC000  }
0x40: {  	[hbm4b:s22+s2] =	stream.linear.scatter [tilespmem:s29], [sflag:$0x3], $0x4000, $0x38;
	[tilespmem:$0x15C00] =	vst v63  }
0x41: {  	p0 =	por $0x1, $0x1;
	s21 =	sor.u32 s7, s21;
	_ =	swait.ge [sflag:s18], $0x4000  }
0x42: {  	s21 =	sshrl.u32 s21, $0x3;
	s22 =	sor.u32 s7, s30;
	[sflag:s18] =	ssyncset.done $0x0  }
0x43: {  	s21 =	sadd.s32 s1, s21;
	s31 =	rddreg [dreg:$0x8];
	[sflag:s18] =	ssyncadd.s32 $0xFFFFC000  }
0x44: {  	[hbm4b:s21+s2] =	stream.linear.scatter [tilespmem:s31], [sflag:$0x4], $0x4000, $0x38;
	[tilespmem:$0x15C00] =	vst v63  }
0x45: {  	s28 =	sshrl.u32 s22, $0x3;
	s22 =	simm.s32 $0x400000;
	_ =	swait.ge [sflag:s19], $0x4000  }
0x46: {  	s26 =	sadd.s32 s1, s28;
	s21 =	simm.s32 $0x9;
	[sflag:s19] =	ssyncset.done $0x0  }
.LBB2_2:
0x47: {  	s28 =	simm.s32 @p0 $0x1;
	[sflag:s19] =	ssyncadd.s32 $0xFFFFC000  }
0x48: {  	[hbm4b:s26+s2] =	stream.linear.scatter [tilespmem:s14], [sflag:$0x5], $0x4000, $0x38;
	[tilespmem:$0x15C00] =	vst v63  }
0x49: {  	s29 =	smov.u32 s25;
	_ =	swait.ge @p0 [sflag:s28], $0x4000  }
0x4a: {  	s30 =	simm.s32 @p0 $0x2;
	s24 =	sshra.s32 @p0 s24, $0x2;
	[sflag:s28] =	ssyncset.done @p0 $0x0  }
0x4b: {  	s26 =	simm.s32 @p0 $0x1C00;
	[sflag:s28] =	ssyncadd.s32 @p0 $0xFFFFC000;
	s28 =	simm.s32 @p0 $0x80  }
0x4c: {  	[tilespmem:s26], [sflag:$0x1] =	stream.indirect.gather @p0 [hbm4b:s4+s28], $0x80, s24, s28, $0xb8;
	[tilespmem:$0x15C00] =	vst v63  }
0x4d: {  	s31 =	sadd.s32 @p0 $0x100, s24;
	s0 =	sadd.s32 @p0 $0x180, s24;
	_ =	swait.ge @p0 [sflag:s30], $0x4000  }
0x4e: {  	s26 =	sadd.s32 @p0 $0x80, s24;
	s24 =	smov.u32 s29;
	[sflag:s30] =	ssyncset.done @p0 $0x0  }
0x4f: {  	s29 =	simm.s32 @p0 $0x5C00;
	[sflag:s30] =	ssyncadd.s32 @p0 $0xFFFFC000;
	s30 =	simm.s32 @p0 $0x3  }
0x50: {  	[tilespmem:s29], [sflag:$0x2] =	stream.indirect.gather @p0 [hbm4b:s4+s28], $0x80, s26, s28, $0xb8;
	[tilespmem:$0x15C00] =	vst v63  }
0x51: {  	_ =	swait.ge @p0 [sflag:s30], $0x4000  }
0x52: {  	[sflag:s30] =	ssyncset.done @p0 $0x0  }
0x53: {  	s26 =	simm.s32 @p0 $0x9C00;
	s29 =	simm.s32 @p0 $0x4;
	[sflag:s30] =	ssyncadd.s32 @p0 $0xFFFFC000  }
0x54: {  	[tilespmem:s26], [sflag:$0x3] =	stream.indirect.gather @p0 [hbm4b:s4+s28], $0x80, s31, s28, $0xb8;
	[tilespmem:$0x15C00] =	vst v63  }
0x55: {  	_ =	swait.ge @p0 [sflag:s29], $0x4000  }
0x56: {  	[sflag:s29] =	ssyncset.done @p0 $0x0  }
0x57: {  	s26 =	simm.s32 @p0 $0xDC00;
	[sflag:s29] =	ssyncadd.s32 @p0 $0xFFFFC000;
	s29 =	simm.s32 @p0 $0x5  }
0x58: {  	[tilespmem:s26], [sflag:$0x4] =	stream.indirect.gather @p0 [hbm4b:s4+s28], $0x80, s0, s28, $0xb8;
	[tilespmem:$0x15C00] =	vst v63  }
0x59: {  	_ =	swait.ge @p0 [sflag:s29], $0x4000  }
0x5a: {  	s30 =	smov.u32 s21;
	s0 =	simm.s32 @!p0 $0x1C00;
	[sflag:s29] =	ssyncset.done @p0 $0x0  }
0x5b: {  	s26 =	simm.s32 @!p0 $0x80;
	s28 =	simm.s32 @!p0 $0x0;
	[sflag:s29] =	ssyncadd.s32 @p0 $0xFFFFC000  }
0x5c: {  	[tilespmem:s0], [sflag:$0x1] =	stream.indirect.gather @!p0 [hbm4b:s4+s26], $0x80, s28, s26, $0xb8;
	[tilespmem:$0x15C00] =	vst v63  }
0x5d: {  	s30 =	simm.s32 @!p0 $0x4;
	s0 =	simm.s32 @!p0 $0x5C00  }
0x5e: {  	[tilespmem:s0], [sflag:$0x2] =	stream.indirect.gather @!p0 [hbm4b:s4+s26], $0x80, s26, s26, $0xb8;
	[tilespmem:$0x15C00] =	vst v63  }
0x5f: {  	s29 =	simm.s32 @!p0 $0x9C00;
	s28 =	simm.s32 @!p0 $0xDC00;
	s0 =	simm.s32 @!p0 $0x100  }
0x60: {  	[tilespmem:s29], [sflag:$0x3] =	stream.indirect.gather @!p0 [hbm4b:s4+s26], $0x80, s0, s26, $0xb8;
	[tilespmem:$0x15C00] =	vst v63  }
0x61: {  	s0 =	simm.s32 @!p0 $0x180;
	s29 =	sshll.u32 s30, $0x7;
	s30 =	sshll.u32 s30, $0x13  }
0x62: {  	[tilespmem:s28], [sflag:$0x4] =	stream.indirect.gather @!p0 [hbm4b:s4+s26], $0x80, s0, s26, $0xb8;
	[tilespmem:$0x15C00] =	vst v63  }
0x63: {  	s31 =	rddreg [dreg:$0x4];
	s29 =	sand.u32 $0x3FFFFF80, s29;
	s28 =	sor.u32 s7, s30  }
0x64: {  	[tilespmem:s14], [sflag:$0x5] =	stream.indirect.gather [hbm4b:s4+s31], $0x80, s29, s31, $0xb8;
	[tilespmem:$0x15C00] =	vst v63  }
0x65: {  	s0 =	sshrl.u32 s28, $0x3;
	s28 =	sadd.s32 @p0 $0xFFF00000, s22;
	_ =	swait.ge [sflag:s15], $0x4000  }
0x66: {  	s28 =	simm.s32 @!p0 $0x80000;
	[sflag:s15] =	ssyncset.done $0x0  }
0x67: {  	s30 =	sor.u32 s7, s28;
	s29 =	rddreg [dreg:$0x5];
	[sflag:s15] =	ssyncadd.s32 $0xFFFFC000  }
0x68: {  	[hbm4b:s23+s2] =	stream.linear.scatter [tilespmem:s29], [sflag:$0x1], $0x4000, $0x38;
	[tilespmem:$0x15C00] =	vst v63  }
0x69: {  	s26 =	sshrl.u32 s30, $0x3;
	_ =	swait.ge [sflag:s16], $0x4000  }
0x6a: {  	s26 =	sadd.s32 s1, s26;
	s29 =	sadd.s32 @p0 $0xFFF80000, s22;
	[sflag:s16] =	ssyncset.done $0x0  }
0x6b: {  	s29 =	simm.s32 @!p0 $0x100000;
	s31 =	rddreg [dreg:$0x6];
	[sflag:s16] =	ssyncadd.s32 $0xFFFFC000  }
0x6c: {  	[hbm4b:s26+s2] =	stream.linear.scatter [tilespmem:s31], [sflag:$0x2], $0x4000, $0x38;
	[tilespmem:$0x15C00] =	vst v63  }
0x6d: {  	s29 =	sor.u32 s7, s29;
	_ =	swait.ge [sflag:s17], $0x4000  }
0x6e: {  	s26 =	sshrl.u32 s29, $0x3;
	[sflag:s17] =	ssyncset.done $0x0  }
0x6f: {  	s26 =	sadd.s32 s1, s26;
	s30 =	rddreg [dreg:$0x7];
	[sflag:s17] =	ssyncadd.s32 $0xFFFFC000  }
0x70: {  	[hbm4b:s26+s2] =	stream.linear.scatter [tilespmem:s30], [sflag:$0x3], $0x4000, $0x38;
	[tilespmem:$0x15C00] =	vst v63  }
0x71: {  	s25 =	sadd.s32 $0xA00, s25;
	s26 =	smov.u32 s22  }
0x72: {  	p1 =	sne.s32 s25, $0x6400;
	s26 =	simm.s32 @!p0 $0x180000  }
0x73: {  	s21 =	sadd.s32 $0x5, s21;
	_ =	swait.ge [sflag:s18], $0x4000;
	s26 =	sor.u32 s7, s26  }
.Ltmp0:
0x74: {  	[sflag:s18] =	ssyncset.done $0x0;
	s26 =	sshrl.u32 s26, $0x3;
	(pc) =	sbr.rel @p1 .LBB2_2-.Ltmp0, $4  }
0x75: {  	s31 =	rddreg [dreg:$0x8];
	[sflag:s18] =	ssyncadd.s32 $0xFFFFC000;
	s26 =	sadd.s32 s1, s26  }
0x76: {  	[hbm4b:s26+s2] =	stream.linear.scatter [tilespmem:s31], [sflag:$0x4], $0x4000, $0x38;
	[tilespmem:$0x15C00] =	vst v63  }
0x77: {  	s23 =	sadd.s32 $0x50000, s23;
	s22 =	sadd.s32 $0x280000, s22;
	_ =	swait.ge [sflag:s19], $0x4000  }
0x78: {  	p0 =	sne.s32 s24, $0x0;
	s26 =	sadd.s32 s1, s0;
	[sflag:s19] =	ssyncset.done $0x0  }
0x79: {  	s0 =	simm.s32 @p0 $0x1;
	[sflag:s19] =	ssyncadd.s32 $0xFFFFC000  }
0x7a: {  	[hbm4b:s26+s2] =	stream.linear.scatter [tilespmem:s14], [sflag:$0x5], $0x4000, $0x38;
	[tilespmem:$0x15C00] =	vst v63  }
0x7b: {  	_ =	swait.ge @p0 [sflag:s0], $0x4000  }
0x7c: {  	s25 =	simm.s32 @p0 $0x1C00;
	s26 =	simm.s32 @p0 $0x2;
	[sflag:s0] =	ssyncset.done @p0 $0x0  }
0x7d: {  	[sflag:s0] =	ssyncadd.s32 @p0 $0xFFFFC000;
	s0 =	sshra.s32 @p0 s24, $0x2;
	s24 =	simm.s32 @p0 $0x80  }
0x7e: {  	[tilespmem:s25], [sflag:$0x1] =	stream.indirect.gather @p0 [hbm4b:s4+s24], $0x80, s0, s24, $0xb8;
	[tilespmem:$0x15C00] =	vst v63  }
0x7f: {  	_ =	swait.ge @p0 [sflag:s26], $0x4000  }
0x80: {  	s28 =	simm.s32 @p0 $0x3;
	[sflag:s26] =	ssyncset.done @p0 $0x0  }
0x81: {  	s25 =	sadd.s32 @p0 $0x80, s0;
	[sflag:s26] =	ssyncadd.s32 @p0 $0xFFFFC000;
	s26 =	simm.s32 @p0 $0x5C00  }
0x82: {  	[tilespmem:s26], [sflag:$0x2] =	stream.indirect.gather @p0 [hbm4b:s4+s24], $0x80, s25, s24, $0xb8;
	[tilespmem:$0x15C00] =	vst v63  }
0x83: {  	_ =	swait.ge @p0 [sflag:s28], $0x4000  }
0x84: {  	s25 =	sadd.s32 @p0 $0x100, s0;
	[sflag:s28] =	ssyncset.done @p0 $0x0  }
0x85: {  	s26 =	simm.s32 @p0 $0x9C00;
	[sflag:s28] =	ssyncadd.s32 @p0 $0xFFFFC000;
	s28 =	simm.s32 @p0 $0x4  }
0x86: {  	[tilespmem:s26], [sflag:$0x3] =	stream.indirect.gather @p0 [hbm4b:s4+s24], $0x80, s25, s24, $0xb8;
	[tilespmem:$0x15C00] =	vst v63  }
0x87: {  	_ =	swait.ge @p0 [sflag:s28], $0x4000  }
0x88: {  	s0 =	sadd.s32 @p0 $0x180, s0;
	[sflag:s28] =	ssyncset.done @p0 $0x0  }
0x89: {  	s25 =	simm.s32 @p0 $0xDC00;
	s26 =	simm.s32 @p0 $0x5;
	[sflag:s28] =	ssyncadd.s32 @p0 $0xFFFFC000  }
0x8a: {  	[tilespmem:s25], [sflag:$0x4] =	stream.indirect.gather @p0 [hbm4b:s4+s24], $0x80, s0, s24, $0xb8;
	[tilespmem:$0x15C00] =	vst v63  }
0x8b: {  	_ =	swait.ge @p0 [sflag:s26], $0x4000  }
0x8c: {  	s0 =	simm.s32 @!p0 $0x1C00;
	[sflag:s26] =	ssyncset.done @p0 $0x0  }
0x8d: {  	s24 =	simm.s32 @!p0 $0x80;
	s25 =	simm.s32 @!p0 $0x0;
	[sflag:s26] =	ssyncadd.s32 @p0 $0xFFFFC000  }
0x8e: {  	[tilespmem:s0], [sflag:$0x1] =	stream.indirect.gather @!p0 [hbm4b:s4+s24], $0x80, s25, s24, $0xb8;
	[tilespmem:$0x15C00] =	vst v63  }
0x8f: {  	s0 =	simm.s32 @!p0 $0x5C00  }
0x90: {  	[tilespmem:s0], [sflag:$0x2] =	stream.indirect.gather @!p0 [hbm4b:s4+s24], $0x80, s24, s24, $0xb8;
	[tilespmem:$0x15C00] =	vst v63  }
0x91: {  	s21 =	simm.s32 @!p0 $0x4;
	s26 =	simm.s32 @!p0 $0x9C00;
	s0 =	simm.s32 @!p0 $0x100  }
0x92: {  	[tilespmem:s26], [sflag:$0x3] =	stream.indirect.gather @!p0 [hbm4b:s4+s24], $0x80, s0, s24, $0xb8;
	[tilespmem:$0x15C00] =	vst v63  }
0x93: {  	s31 =	sshll.u32 s21, $0x7;
	s25 =	simm.s32 @!p0 $0xDC00;
	s0 =	simm.s32 @!p0 $0x180  }
0x94: {  	[tilespmem:s25], [sflag:$0x4] =	stream.indirect.gather @!p0 [hbm4b:s4+s24], $0x80, s0, s24, $0xb8;
	[tilespmem:$0x15C00] =	vst v63  }
0x95: {  	s30 =	sand.u32 $0x3FFFFF80, s31;
	s29 =	rddreg [dreg:$0x4]  }
0x96: {  	[tilespmem:s14], [sflag:$0x5] =	stream.indirect.gather [hbm4b:s4+s29], $0x80, s30, s29, $0xb8;
	[tilespmem:$0x15C00] =	vst v63  }
0x97: {  	s24 =	sadd.s32 @p0 $0xFFF00000, s22;
	_ =	swait.ge [sflag:s15], $0x4000  }
0x98: {  	s24 =	simm.s32 @!p0 $0x80000;
	[sflag:s15] =	ssyncset.done $0x0  }
0x99: {  	s24 =	sor.u32 s7, s24;
	s31 =	rddreg [dreg:$0x5];
	[sflag:s15] =	ssyncadd.s32 $0xFFFFC000  }
0x9a: {  	[hbm4b:s23+s2] =	stream.linear.scatter [tilespmem:s31], [sflag:$0x1], $0x4000, $0x38;
	[tilespmem:$0x15C00] =	vst v63  }
0x9b: {  	s0 =	sshrl.u32 s24, $0x3;
	_ =	swait.ge [sflag:s16], $0x4000  }
0x9c: {  	s24 =	sadd.s32 @p0 $0xFFF80000, s22;
	s0 =	sadd.s32 s1, s0;
	[sflag:s16] =	ssyncset.done $0x0  }
0x9d: {  	s24 =	simm.s32 @!p0 $0x100000;
	s25 =	rddreg [dreg:$0x6];
	[sflag:s16] =	ssyncadd.s32 $0xFFFFC000  }
0x9e: {  	[hbm4b:s0+s2] =	stream.linear.scatter [tilespmem:s25], [sflag:$0x2], $0x4000, $0x38;
	[tilespmem:$0x15C00] =	vst v63  }
0x9f: {  	s26 =	sor.u32 s7, s24;
	_ =	swait.ge [sflag:s17], $0x4000  }
0xa0: {  	s22 =	simm.s32 @!p0 $0x180000;
	s0 =	sshrl.u32 s26, $0x3;
	[sflag:s17] =	ssyncset.done $0x0  }
0xa1: {  	s0 =	sadd.s32 s1, s0;
	s28 =	rddreg [dreg:$0x7];
	[sflag:s17] =	ssyncadd.s32 $0xFFFFC000  }
0xa2: {  	[hbm4b:s0+s2] =	stream.linear.scatter [tilespmem:s28], [sflag:$0x3], $0x4000, $0x38;
	[tilespmem:$0x15C00] =	vst v63  }
0xa3: {  	s29 =	sor.u32 s7, s22;
	_ =	swait.ge [sflag:s18], $0x4000  }
0xa4: {  	s21 =	sshll.u32 s21, $0x13;
	s0 =	sshrl.u32 s29, $0x3;
	[sflag:s18] =	ssyncset.done $0x0  }
0xa5: {  	s0 =	sadd.s32 s1, s0;
	s30 =	rddreg [dreg:$0x8];
	[sflag:s18] =	ssyncadd.s32 $0xFFFFC000  }
0xa6: {  	[hbm4b:s0+s2] =	stream.linear.scatter [tilespmem:s30], [sflag:$0x4], $0x4000, $0x38;
	[tilespmem:$0x15C00] =	vst v63  }
0xa7: {  	s31 =	sor.u32 s7, s21;
	_ =	swait.ge [sflag:s19], $0x4000  }
0xa8: {  	s0 =	sshrl.u32 s31, $0x3;
	[sflag:s19] =	ssyncset.done $0x0  }
0xa9: {  	s0 =	sadd.s32 s1, s0;
	[sflag:s19] =	ssyncadd.s32 $0xFFFFC000  }
0xaa: {  	[hbm4b:s0+s2] =	stream.linear.scatter [tilespmem:s14], [sflag:$0x5], $0x4000, $0x38;
	[tilespmem:$0x15C00] =	vst v63  }
0xab: {  	_ =	swait.ge [sflag:s15], $0x4000  }
0xac: {  	[sflag:s15] =	ssyncset.done $0x0  }
0xad: {  	[sflag:s15] =	ssyncadd.s32 $0xFFFFC000  }
0xae: {  	_ =	swait.ge [sflag:s16], $0x4000  }
0xaf: {  	[sflag:s16] =	ssyncset.done $0x0  }
0xb0: {  	[sflag:s16] =	ssyncadd.s32 $0xFFFFC000  }
0xb1: {  	_ =	swait.ge [sflag:s17], $0x4000  }
0xb2: {  	[sflag:s17] =	ssyncset.done $0x0  }
0xb3: {  	s20 =	sadd.s32 $0x1, s20;
	[sflag:s17] =	ssyncadd.s32 $0xFFFFC000  }
0xb4: {  	p0 =	sne.s32 s20, s8;
	_ =	swait.ge [sflag:s18], $0x4000  }
.Ltmp1:
0xb5: {  	[sflag:s18] =	ssyncset.done $0x0;
	(pc) =	sbr.rel @p0 .LBB2_1-.Ltmp1, $4  }
0xb6: {  	[sflag:s18] =	ssyncadd.s32 $0xFFFFC000  }
0xb7: {  	_ =	swait.ge [sflag:s19], $0x4000  }
0xb8: {  	[sflag:s19] =	ssyncset.done $0x0  }
0xb9: {  	[sflag:s19] =	ssyncadd.s32 $0xFFFFC000  }
0xba: {  	_ =	sfence.sel $0x180000  }
0xbb: {  	[bflag:$0x0] =	sbarrier.arrive $0xFFFF  }
0xbc: {  	_ =	strace $0x90000047  }
0xbd: {  	[bflag:$0x2] =	sbarrier.arrive $0xFFFF  }
0xbe: {  	p0 =	sne.s32 s3, $0x0;
	s0 =	rddreg [dreg:$0x3]  }
0xbf: {  	s0 =	sadd.s32 @!p0 $0x100000, s0  }
0xc0: {  	[sflag:s0] =	ssyncadd.tile.s32 @!p0 $0x1;
	_ =	shalt  }
.Lfunc_end2:
_tile_overlayer_lowered:
.L_overlay_start_2:
0xc1: {  	(tag) =	ssettag $0x2  }
0xc2: {  	s0 =	rddreg [dreg:$0x0];
	s2 =	stileid.u32  }
0xc3: {  	s1 =	rddreg [dreg:$0x1];
	p0 =	sne.s32 s2, $0x0  }
0xc4: {  	s3 =	rddreg [dreg:$0x2];
	[bflag:$0x3] =	sbarrier.arrive $0xFFFF;
	s2 =	simm.s32 @!p0 $0x1C06  }
0xc5: {  	[timem:s3], [sflag:s2] =	dma.local @!p0 [hbm:s0], s1  }
0xc6: {  	s0 =	simm.s32 @!p0 $0x6  }
0xc7: {  	_ =	swait.ge @!p0 [sflag:s0], s1  }
0xc8: {  	s1 =	ssub.s32 @!p0 $0x0, s1;
	[sflag:s0] =	ssyncset.done @!p0 $0x0  }
0xc9: {  	[sflag:s0] =	ssyncadd.s32 @!p0 s1  }
0xca: {  	[bflag:$0x3] =	sbarrier.arrive $0xFFFF  }
0xcb: {  	_ =	shalt  }

</sc_bundles>
